<compile_context>
chip_gen: v7x
topology: tpu7x:2x2x1
jax: 0.10.2.dev20260603
libtpu: 0.0.44.dev20260713+nightly
codegen_flags: <defaults>
</compile_context>

<pallas_src>
import functools

import jax
import jax.numpy as jnp
from jax import lax
from jax.experimental import pallas as pl
from jax.experimental.pallas import tpu as pltpu
from jax.experimental.pallas import tpu_sc as plsc

B = 2
C = 4
NPB = 64 * 128 * 128
N = B * NPB
K = max(1, int(0.3 * N))

SUB = NPB // 8
WCOL = 65536


def _loss_body(lg_ref, tg_ref, out_ref):
    x = lg_ref[0]
    t = tg_ref[0]
    m = jnp.max(x, axis=0)
    s = jnp.sum(jnp.exp(x - m[None]), axis=0)
    lse = m + jnp.log(s)
    cidx = lax.broadcasted_iota(jnp.int32, (C, 8, WCOL), 0)
    sel = jnp.sum(jnp.where(cidx == t[None], x, 0.0), axis=0)
    out_ref[0] = jnp.maximum(lse - sel, 0.0)


_loss_call = pl.pallas_call(
    _loss_body,
    grid=(B, SUB // WCOL),
    in_specs=[
        pl.BlockSpec((1, C, 8, WCOL), lambda b, j: (b, 0, 0, j)),
        pl.BlockSpec((1, 8, WCOL), lambda b, j: (b, 0, j)),
    ],
    out_specs=pl.BlockSpec((1, 8, WCOL), lambda b, j: (b, 0, j)),
    out_shape=jax.ShapeDtypeStruct((B, 8, SUB), jnp.float32),
)

NC = 2
NS = 16
NW = NC * NS
L = 16
PER_W = N // NW
CH = 16384
NCH = PER_W // CH
NB = 4096
SHIFT = 19
UNROLL = 16


def _hist_body(loss_hbm, cnt_out, stage0, stage1, ctbl, row, sem0, sem1):
    stages = (stage0, stage1)
    sems = (sem0, sem1)
    wid = lax.axis_index("s") * NC + lax.axis_index("c")
    base = wid * PER_W

    zv = jnp.zeros((L,), jnp.float32)

    @plsc.parallel_loop(0, NB, unroll=UNROLL)
    def _(i):
        ctbl[pl.ds(i * L, L)] = zv

    lane_off = jnp.arange(L, dtype=jnp.int32) * NB
    ones = jnp.full((L,), 1.0, jnp.float32)

    def dma(g):
        return pltpu.make_async_copy(
            loss_hbm.at[pl.ds(base + g * CH, CH)],
            stages[g % 2], sems[g % 2])

    def process(sref):
        @plsc.parallel_loop(0, CH // L, unroll=UNROLL)
        def _(i):
            v = sref[pl.ds(i * L, L)]
            bits = lax.bitcast_convert_type(v, jnp.int32)
            bucket = lax.shift_right_logical(bits, SHIFT)
            plsc.addupdate_scatter(ctbl, [bucket + lane_off], ones)

    dma(0).start()
    for g in range(NCH):
        if g + 1 < NCH:
            dma(g + 1).start()
        dma(g).wait()
        process(stages[g % 2])

    @plsc.parallel_loop(0, NB // L, unroll=4)
    def _(j):
        acc = ctbl[pl.ds(j * L, L)]
        for l in range(1, L):
            acc = acc + ctbl[pl.ds(l * NB + j * L, L)]
        row[pl.ds(j * L, L)] = acc

    pltpu.sync_copy(row, cnt_out.at[wid])


@functools.lru_cache(maxsize=1)
def _get_hist_kernel():
    mesh = plsc.VectorSubcoreMesh(core_axis_name="c", subcore_axis_name="s")
    return functools.partial(
        pl.kernel, mesh=mesh,
        out_type=jax.ShapeDtypeStruct((NW, NB), jnp.float32),
        scratch_types=[
            pltpu.VMEM((CH,), jnp.float32),
            pltpu.VMEM((CH,), jnp.float32),
            pltpu.VMEM((NB * L,), jnp.float32),
            pltpu.VMEM((NB,), jnp.float32),
            pltpu.SemaphoreType.DMA,
            pltpu.SemaphoreType.DMA,
        ],
        compiler_params=pltpu.CompilerParams(needs_layout_passes=False),
    )(_hist_body)


NR = NB // 128
FBLK = 262144
FSTEPS = N // FBLK


def _find_bin(cnt3, kneed):
    cnt = jnp.sum(cnt3, axis=0)
    tri = (lax.broadcasted_iota(jnp.int32, (128, 128), 0)
           >= lax.broadcasted_iota(jnp.int32, (128, 128), 1)
           ).astype(jnp.float32)
    strict = (lax.broadcasted_iota(jnp.int32, (NR, NR), 1)
              > lax.broadcasted_iota(jnp.int32, (NR, NR), 0)
              ).astype(jnp.float32)
    srow = jnp.dot(cnt, tri, preferred_element_type=jnp.float32)
    rt = jnp.sum(cnt, axis=1).reshape(1, NR)
    s_cnt = srow + jnp.sum(strict * rt, axis=1, keepdims=True)
    fidx = (lax.broadcasted_iota(jnp.int32, (NR, 128), 0) * 128
            + lax.broadcasted_iota(jnp.int32, (NR, 128), 1)
            ).astype(jnp.float32)
    return jnp.max(jnp.where(s_cnt >= kneed, fidx, -1.0))


def _final_body(cnt_ref, loss_ref, out_ref, edges, acc):
    g = pl.program_id(0)

    @pl.when(g == 0)
    def _():
        b = _find_bin(cnt_ref[...], float(K)).astype(jnp.int32)
        edges[0] = b << SHIFT
        edges[1] = (b << SHIFT) | (1 << (SHIFT - 1))
        edges[2] = (b + 1) << SHIFT
        for i in range(6):
            acc[i] = 0.0

    x = loss_ref[0]
    xb = lax.bitcast_convert_type(x, jnp.int32)
    for j in range(3):
        m = xb >= edges[j]
        acc[2 * j] = acc[2 * j] + jnp.sum(jnp.where(m, x, 0.0))
        acc[2 * j + 1] = acc[2 * j + 1] + jnp.sum(m.astype(jnp.float32))

    @pl.when(g == FSTEPS - 1)
    def _():
        upper = acc[3] >= float(K)
        s_gt = jnp.where(upper, acc[4], acc[2])
        c_gt = jnp.where(upper, acc[5], acc[3])
        in_sum = jnp.where(upper, acc[2] - acc[4], acc[0] - acc[2])
        in_cnt = jnp.where(upper, acc[3] - acc[5], acc[1] - acc[3])
        k_rem = float(K) - c_gt
        out_ref[0, 0] = (s_gt + k_rem * (in_sum / in_cnt)) / float(K)


_final = pl.pallas_call(
    _final_body,
    grid=(FSTEPS,),
    in_specs=[
        pl.BlockSpec((NW, NR, 128), lambda g: (0, 0, 0)),
        pl.BlockSpec((1, 8, FBLK // 8), lambda g: (g, 0, 0)),
    ],
    out_specs=pl.BlockSpec(
        (1, 1), lambda g: (0, 0), memory_space=pltpu.SMEM),
    out_shape=jax.ShapeDtypeStruct((1, 1), jnp.float32),
    scratch_shapes=[pltpu.SMEM((3,), jnp.int32),
                    pltpu.SMEM((6,), jnp.float32)],
)



def kernel(logits, target):
    lg = logits.reshape(B, C, 8, SUB)
    tg = target.astype(jnp.int32).reshape(B, 8, SUB)
    losses = _loss_call(lg, tg).reshape(N)
    cnt = _get_hist_kernel()(losses)
    res = _final(cnt.reshape(NW, NR, 128),
                 losses.reshape(FSTEPS, 8, FBLK // 8))
    return res[0, 0]

# --- scband reference (transcript-rebuilt; emitter-appended) ---
"""Pipeline reference for scband-top-kcross-entropy-loss-58076547776534 (READ-ONLY COPY).

The authoritative reference and input builder live on the scoring server;
editing this copy changes nothing except your own understanding.
"""

import jax, jax.numpy as jnp
import numpy as np

TOP_K_PERCENT = 0.3
IGNORE_INDEX = -100

def setup_inputs(seed: int = 0) -> dict:
    key = jax.random.key(seed)
    k1, k2 = jax.random.split(key)
    logits = jax.random.normal(k1, (2, 4, 64, 128, 128), dtype=jnp.float32)
    target = jax.random.randint(k2, (2, 64, 128, 128), 0, 4, dtype=jnp.int64)
    return {"logits": logits, "target": target}

def reference(logits, target):
    # handle optional (B,1,D,H,W) target
    if target.ndim == 5 and target.shape[1] == 1:
        target = jnp.squeeze(target, axis=1)
    target = target.astype(jnp.int32)
    # per-pixel cross entropy, reduction='none', ignore_index semantics
    logp = jax.nn.log_softmax(logits, axis=1)
    safe_t = jnp.where(target == IGNORE_INDEX, 0, target)
    pixel_losses = -jnp.take_along_axis(logp, safe_t[:, None, :, :, :], axis=1)
    pixel_losses = jnp.squeeze(pixel_losses, axis=1)
    pixel_losses = jnp.where(target == IGNORE_INDEX, 0.0, pixel_losses)
    if TOP_K_PERCENT >= 1.0:
        return pixel_losses.mean()
    flat = pixel_losses.reshape(-1)
    tflat = target.reshape(-1)
    valid_mask = tflat != IGNORE_INDEX
    num_valid = int(tflat.shape[0])
    if num_valid == 0:
        return jnp.asarray(0.0, dtype=jnp.float32)
    valid_losses = jnp.where(valid_mask, flat, -jnp.inf)
    k = max(1, int(TOP_K_PERCENT * num_valid))
    topk_losses, _ = jax.lax.top_k(valid_losses, k)
    return topk_losses.mean()

if __name__ == "__main__":
    import jax
    _d = setup_inputs()
    print(jax.jit(kernel)(*tuple(_d.values())))

</pallas_src>

<mosaic_0001>
#map = affine_map<(d0, d1) -> (0)>
#map1 = affine_map<(d0, d1) -> (0, 0)>
module attributes {stable_mosaic.version = 14 : i64} {
  func.func @_hist_body(%arg0: i32, %arg1: i32, %arg2: memref<2097152xf32, #tpu.memory_space<hbm>>, %arg3: memref<32x4096xf32, #tpu.memory_space<hbm>>, %arg4: memref<16384xf32, #tpu.memory_space<vmem>>, %arg5: memref<16384xf32, #tpu.memory_space<vmem>>, %arg6: memref<65536xf32, #tpu.memory_space<vmem>>, %arg7: memref<4096xf32, #tpu.memory_space<vmem>>, %arg8: memref<!tpu.dma_semaphore, #tpu.memory_space<semaphore_mem>>, %arg9: memref<!tpu.dma_semaphore, #tpu.memory_space<semaphore_mem>>) attributes {dimension_semantics = [#tpu.dimension_semantics<core_parallel>, #tpu.dimension_semantics<subcore_parallel>], iteration_bounds = array<i64: 2, 16>, scalar_prefetch = 0 : i64, scratch_operands = 6 : i64, tpu.core_type = #tpu.core_type<sc_vector_subcore>, window_params = [{transform_indices = #map}, {transform_indices = #map1}]} {
    %mul3A = arith.constant 2 : i32
    %mul3A_0 = arith.muli %arg1, %mul3A : i32
    %add3A = arith.addi %mul3A_0, %arg0 : i32
    %mul3A_1 = arith.constant 65536 : i32
    %mul3A_2 = arith.muli %add3A, %mul3A_1 : i32
    %broadcast_in_dim3A = arith.constant 0.000000e+00 : f32
    %broadcast_in_dim3A_3 = vector.broadcast %broadcast_in_dim3A : f32 to vector<16xf32>
    %parallel_loop3A = arith.constant 0 : i32
    %parallel_loop3A_4 = arith.constant 4096 : i32
    %parallel_loop3A_5 = arith.constant 1 : i32
    scf.for %parallel_loop3A_56 = %parallel_loop3A to %parallel_loop3A_4 step %parallel_loop3A_5  : i32 {
      %parallel_loop3A_57 = arith.constant 16 : i32
      %parallel_loop3A_58 = arith.muli %parallel_loop3A_56, %parallel_loop3A_57 : i32
      %parallel_loop3A_59 = arith.index_cast %parallel_loop3A_58 : i32 to index
      %parallel_loop3A_60 = tpu.vector_load %arg6[%parallel_loop3A_59] {strides = array<i32>} : memref<65536xf32, #tpu.memory_space<vmem>>, vector<16xf32>,
      tpu.vector_store %arg6[%parallel_loop3A_59], %broadcast_in_dim3A_3 {strides = array<i32>} : memref<65536xf32, #tpu.memory_space<vmem>>, vector<16xf32>,
    } {sc.loop_unroll_factor = 16 : i64, sc.parallel_access}
    %iota3A = tpu.iota {dimensions = array<i32: 0>} : vector<16xi32>
    %mul3A_6 = arith.constant 4096 : i32
    %mul3A_7 = vector.broadcast %mul3A_6 : i32 to vector<16xi32>
    %mul3A_8 = arith.muli %iota3A, %mul3A_7 : vector<16xi32>
    %broadcast_in_dim3A_9 = arith.constant 1.000000e+00 : f32
    %broadcast_in_dim3A_10 = vector.broadcast %broadcast_in_dim3A_9 : f32 to vector<16xf32>
    %add3A_11 = arith.constant 0 : i32
    %add3A_12 = arith.addi %mul3A_2, %add3A_11 : i32
    %dma_start3A = tpu.memref_slice %arg2[%add3A_12] : memref<2097152xf32, #tpu.memory_space<hbm>> -> memref<16384xf32, #tpu.memory_space<hbm>>
    %dma_start3A_13 = tpu.memref_slice %arg2[%add3A_12] : memref<2097152xf32, #tpu.memory_space<hbm>> -> memref<16384xf32, #tpu.memory_space<hbm>>
    tpu.enqueue_dma source(%dma_start3A_13 : memref<16384xf32, #tpu.memory_space<hbm>>) target(%arg4 : memref<16384xf32, #tpu.memory_space<vmem>>) target_semaphore(%arg8 : memref<!tpu.dma_semaphore, #tpu.memory_space<semaphore_mem>>)
    %add3A_14 = arith.constant 16384 : i32
    %add3A_15 = arith.addi %mul3A_2, %add3A_14 : i32
    %dma_start3A_16 = tpu.memref_slice %arg2[%add3A_15] : memref<2097152xf32, #tpu.memory_space<hbm>> -> memref<16384xf32, #tpu.memory_space<hbm>>
    %dma_start3A_17 = tpu.memref_slice %arg2[%add3A_15] : memref<2097152xf32, #tpu.memory_space<hbm>> -> memref<16384xf32, #tpu.memory_space<hbm>>
    tpu.enqueue_dma source(%dma_start3A_17 : memref<16384xf32, #tpu.memory_space<hbm>>) target(%arg5 : memref<16384xf32, #tpu.memory_space<vmem>>) target_semaphore(%arg9 : memref<!tpu.dma_semaphore, #tpu.memory_space<semaphore_mem>>)
    %add3A_18 = arith.constant 0 : i32
    %add3A_19 = arith.addi %mul3A_2, %add3A_18 : i32
    %dma_wait3A = tpu.memref_slice %arg2[%add3A_19] : memref<2097152xf32, #tpu.memory_space<hbm>> -> memref<16384xf32, #tpu.memory_space<hbm>>
    %dma_wait3A_20 = tpu.memref_slice %arg2[%add3A_19] : memref<2097152xf32, #tpu.memory_space<hbm>> -> memref<16384xf32, #tpu.memory_space<hbm>>
    tpu.wait_dma2 semaphore(%arg8 : memref<!tpu.dma_semaphore, #tpu.memory_space<semaphore_mem>>) src(%dma_wait3A_20 : memref<16384xf32, #tpu.memory_space<hbm>>) dst(%arg4 : memref<16384xf32, #tpu.memory_space<vmem>>)
    %parallel_loop3A_21 = arith.constant 0 : i32
    %parallel_loop3A_22 = arith.constant 1024 : i32
    %parallel_loop3A_23 = arith.constant 1 : i32
    scf.for %parallel_loop3A_56 = %parallel_loop3A_21 to %parallel_loop3A_22 step %parallel_loop3A_23  : i32 {
      %parallel_loop3A_57 = arith.constant 16 : i32
      %parallel_loop3A_58 = arith.muli %parallel_loop3A_56, %parallel_loop3A_57 : i32
      %parallel_loop3A_59 = arith.index_cast %parallel_loop3A_58 : i32 to index
      %parallel_loop3A_60 = tpu.vector_load %arg4[%parallel_loop3A_59] {strides = array<i32>} : memref<16384xf32, #tpu.memory_space<vmem>>, vector<16xf32>,
      %parallel_loop3A_61 = tpu.bitcast %parallel_loop3A_60 : vector<16xf32> -> vector<16xi32>
      %parallel_loop3A_62 = arith.constant 19 : i32
      %parallel_loop3A_63 = vector.broadcast %parallel_loop3A_62 : i32 to vector<16xi32>
      %parallel_loop3A_64 = arith.shrui %parallel_loop3A_61, %parallel_loop3A_63 : vector<16xi32>
      %parallel_loop3A_65 = arith.addi %parallel_loop3A_64, %mul3A_8 : vector<16xi32>
      tpu.vector_store_idx %arg6[%parallel_loop3A_65], %broadcast_in_dim3A_10 {add = true} : memref<65536xf32, #tpu.memory_space<vmem>>[vector<16xi32>], vector<16xf32>,
    } {sc.loop_unroll_factor = 16 : i64, sc.parallel_access}
    %add3A_24 = arith.constant 32768 : i32
    %add3A_25 = arith.addi %mul3A_2, %add3A_24 : i32
    %dma_start3A_26 = tpu.memref_slice %arg2[%add3A_25] : memref<2097152xf32, #tpu.memory_space<hbm>> -> memref<16384xf32, #tpu.memory_space<hbm>>
    %dma_start3A_27 = tpu.memref_slice %arg2[%add3A_25] : memref<2097152xf32, #tpu.memory_space<hbm>> -> memref<16384xf32, #tpu.memory_space<hbm>>
    tpu.enqueue_dma source(%dma_start3A_27 : memref<16384xf32, #tpu.memory_space<hbm>>) target(%arg4 : memref<16384xf32, #tpu.memory_space<vmem>>) target_semaphore(%arg8 : memref<!tpu.dma_semaphore, #tpu.memory_space<semaphore_mem>>)
    %add3A_28 = arith.constant 16384 : i32
    %add3A_29 = arith.addi %mul3A_2, %add3A_28 : i32
    %dma_wait3A_30 = tpu.memref_slice %arg2[%add3A_29] : memref<2097152xf32, #tpu.memory_space<hbm>> -> memref<16384xf32, #tpu.memory_space<hbm>>
    %dma_wait3A_31 = tpu.memref_slice %arg2[%add3A_29] : memref<2097152xf32, #tpu.memory_space<hbm>> -> memref<16384xf32, #tpu.memory_space<hbm>>
    tpu.wait_dma2 semaphore(%arg9 : memref<!tpu.dma_semaphore, #tpu.memory_space<semaphore_mem>>) src(%dma_wait3A_31 : memref<16384xf32, #tpu.memory_space<hbm>>) dst(%arg5 : memref<16384xf32, #tpu.memory_space<vmem>>)
    %parallel_loop3A_32 = arith.constant 0 : i32
    %parallel_loop3A_33 = arith.constant 1024 : i32
    %parallel_loop3A_34 = arith.constant 1 : i32
    scf.for %parallel_loop3A_56 = %parallel_loop3A_32 to %parallel_loop3A_33 step %parallel_loop3A_34  : i32 {
      %parallel_loop3A_57 = arith.constant 16 : i32
      %parallel_loop3A_58 = arith.muli %parallel_loop3A_56, %parallel_loop3A_57 : i32
      %parallel_loop3A_59 = arith.index_cast %parallel_loop3A_58 : i32 to index
      %parallel_loop3A_60 = tpu.vector_load %arg5[%parallel_loop3A_59] {strides = array<i32>} : memref<16384xf32, #tpu.memory_space<vmem>>, vector<16xf32>,
      %parallel_loop3A_61 = tpu.bitcast %parallel_loop3A_60 : vector<16xf32> -> vector<16xi32>
      %parallel_loop3A_62 = arith.constant 19 : i32
      %parallel_loop3A_63 = vector.broadcast %parallel_loop3A_62 : i32 to vector<16xi32>
      %parallel_loop3A_64 = arith.shrui %parallel_loop3A_61, %parallel_loop3A_63 : vector<16xi32>
      %parallel_loop3A_65 = arith.addi %parallel_loop3A_64, %mul3A_8 : vector<16xi32>
      tpu.vector_store_idx %arg6[%parallel_loop3A_65], %broadcast_in_dim3A_10 {add = true} : memref<65536xf32, #tpu.memory_space<vmem>>[vector<16xi32>], vector<16xf32>,
    } {sc.loop_unroll_factor = 16 : i64, sc.parallel_access}
    %add3A_35 = arith.constant 49152 : i32
    %add3A_36 = arith.addi %mul3A_2, %add3A_35 : i32
    %dma_start3A_37 = tpu.memref_slice %arg2[%add3A_36] : memref<2097152xf32, #tpu.memory_space<hbm>> -> memref<16384xf32, #tpu.memory_space<hbm>>
    %dma_start3A_38 = tpu.memref_slice %arg2[%add3A_36] : memref<2097152xf32, #tpu.memory_space<hbm>> -> memref<16384xf32, #tpu.memory_space<hbm>>
    tpu.enqueue_dma source(%dma_start3A_38 : memref<16384xf32, #tpu.memory_space<hbm>>) target(%arg5 : memref<16384xf32, #tpu.memory_space<vmem>>) target_semaphore(%arg9 : memref<!tpu.dma_semaphore, #tpu.memory_space<semaphore_mem>>)
    %add3A_39 = arith.constant 32768 : i32
    %add3A_40 = arith.addi %mul3A_2, %add3A_39 : i32
    %dma_wait3A_41 = tpu.memref_slice %arg2[%add3A_40] : memref<2097152xf32, #tpu.memory_space<hbm>> -> memref<16384xf32, #tpu.memory_space<hbm>>
    %dma_wait3A_42 = tpu.memref_slice %arg2[%add3A_40] : memref<2097152xf32, #tpu.memory_space<hbm>> -> memref<16384xf32, #tpu.memory_space<hbm>>
    tpu.wait_dma2 semaphore(%arg8 : memref<!tpu.dma_semaphore, #tpu.memory_space<semaphore_mem>>) src(%dma_wait3A_42 : memref<16384xf32, #tpu.memory_space<hbm>>) dst(%arg4 : memref<16384xf32, #tpu.memory_space<vmem>>)
    %parallel_loop3A_43 = arith.constant 0 : i32
    %parallel_loop3A_44 = arith.constant 1024 : i32
    %parallel_loop3A_45 = arith.constant 1 : i32
    scf.for %parallel_loop3A_56 = %parallel_loop3A_43 to %parallel_loop3A_44 step %parallel_loop3A_45  : i32 {
      %parallel_loop3A_57 = arith.constant 16 : i32
      %parallel_loop3A_58 = arith.muli %parallel_loop3A_56, %parallel_loop3A_57 : i32
      %parallel_loop3A_59 = arith.index_cast %parallel_loop3A_58 : i32 to index
      %parallel_loop3A_60 = tpu.vector_load %arg4[%parallel_loop3A_59] {strides = array<i32>} : memref<16384xf32, #tpu.memory_space<vmem>>, vector<16xf32>,
      %parallel_loop3A_61 = tpu.bitcast %parallel_loop3A_60 : vector<16xf32> -> vector<16xi32>
      %parallel_loop3A_62 = arith.constant 19 : i32
      %parallel_loop3A_63 = vector.broadcast %parallel_loop3A_62 : i32 to vector<16xi32>
      %parallel_loop3A_64 = arith.shrui %parallel_loop3A_61, %parallel_loop3A_63 : vector<16xi32>
      %parallel_loop3A_65 = arith.addi %parallel_loop3A_64, %mul3A_8 : vector<16xi32>
      tpu.vector_store_idx %arg6[%parallel_loop3A_65], %broadcast_in_dim3A_10 {add = true} : memref<65536xf32, #tpu.memory_space<vmem>>[vector<16xi32>], vector<16xf32>,
    } {sc.loop_unroll_factor = 16 : i64, sc.parallel_access}
    %add3A_46 = arith.constant 49152 : i32
    %add3A_47 = arith.addi %mul3A_2, %add3A_46 : i32
    %dma_wait3A_48 = tpu.memref_slice %arg2[%add3A_47] : memref<2097152xf32, #tpu.memory_space<hbm>> -> memref<16384xf32, #tpu.memory_space<hbm>>
    %dma_wait3A_49 = tpu.memref_slice %arg2[%add3A_47] : memref<2097152xf32, #tpu.memory_space<hbm>> -> memref<16384xf32, #tpu.memory_space<hbm>>
    tpu.wait_dma2 semaphore(%arg9 : memref<!tpu.dma_semaphore, #tpu.memory_space<semaphore_mem>>) src(%dma_wait3A_49 : memref<16384xf32, #tpu.memory_space<hbm>>) dst(%arg5 : memref<16384xf32, #tpu.memory_space<vmem>>)
    %parallel_loop3A_50 = arith.constant 0 : i32
    %parallel_loop3A_51 = arith.constant 1024 : i32
    %parallel_loop3A_52 = arith.constant 1 : i32
    scf.for %parallel_loop3A_56 = %parallel_loop3A_50 to %parallel_loop3A_51 step %parallel_loop3A_52  : i32 {
      %parallel_loop3A_57 = arith.constant 16 : i32
      %parallel_loop3A_58 = arith.muli %parallel_loop3A_56, %parallel_loop3A_57 : i32
      %parallel_loop3A_59 = arith.index_cast %parallel_loop3A_58 : i32 to index
      %parallel_loop3A_60 = tpu.vector_load %arg5[%parallel_loop3A_59] {strides = array<i32>} : memref<16384xf32, #tpu.memory_space<vmem>>, vector<16xf32>,
      %parallel_loop3A_61 = tpu.bitcast %parallel_loop3A_60 : vector<16xf32> -> vector<16xi32>
      %parallel_loop3A_62 = arith.constant 19 : i32
      %parallel_loop3A_63 = vector.broadcast %parallel_loop3A_62 : i32 to vector<16xi32>
      %parallel_loop3A_64 = arith.shrui %parallel_loop3A_61, %parallel_loop3A_63 : vector<16xi32>
      %parallel_loop3A_65 = arith.addi %parallel_loop3A_64, %mul3A_8 : vector<16xi32>
      tpu.vector_store_idx %arg6[%parallel_loop3A_65], %broadcast_in_dim3A_10 {add = true} : memref<65536xf32, #tpu.memory_space<vmem>>[vector<16xi32>], vector<16xf32>,
    } {sc.loop_unroll_factor = 16 : i64, sc.parallel_access}
    %parallel_loop3A_53 = arith.constant 0 : i32
    %parallel_loop3A_54 = arith.constant 256 : i32
    %parallel_loop3A_55 = arith.constant 1 : i32
    scf.for %parallel_loop3A_56 = %parallel_loop3A_53 to %parallel_loop3A_54 step %parallel_loop3A_55  : i32 {
      %parallel_loop3A_57 = arith.constant 16 : i32
      %parallel_loop3A_58 = arith.muli %parallel_loop3A_56, %parallel_loop3A_57 : i32
      %parallel_loop3A_59 = arith.index_cast %parallel_loop3A_58 : i32 to index
      %parallel_loop3A_60 = tpu.vector_load %arg6[%parallel_loop3A_59] {strides = array<i32>} : memref<65536xf32, #tpu.memory_space<vmem>>, vector<16xf32>,
      %parallel_loop3A_61 = arith.constant 16 : i32
      %parallel_loop3A_62 = arith.muli %parallel_loop3A_56, %parallel_loop3A_61 : i32
      %parallel_loop3A_63 = arith.constant 4096 : i32
      %parallel_loop3A_64 = arith.addi %parallel_loop3A_63, %parallel_loop3A_62 : i32
      %parallel_loop3A_65 = arith.index_cast %parallel_loop3A_64 : i32 to index
      %parallel_loop3A_66 = tpu.vector_load %arg6[%parallel_loop3A_65] {strides = array<i32>} : memref<65536xf32, #tpu.memory_space<vmem>>, vector<16xf32>,
      %parallel_loop3A_67 = arith.addf %parallel_loop3A_60, %parallel_loop3A_66 : vector<16xf32>
      %parallel_loop3A_68 = arith.constant 16 : i32
      %parallel_loop3A_69 = arith.muli %parallel_loop3A_56, %parallel_loop3A_68 : i32
      %parallel_loop3A_70 = arith.constant 8192 : i32
      %parallel_loop3A_71 = arith.addi %parallel_loop3A_70, %parallel_loop3A_69 : i32
      %parallel_loop3A_72 = arith.index_cast %parallel_loop3A_71 : i32 to index
      %parallel_loop3A_73 = tpu.vector_load %arg6[%parallel_loop3A_72] {strides = array<i32>} : memref<65536xf32, #tpu.memory_space<vmem>>, vector<16xf32>,
      %parallel_loop3A_74 = arith.addf %parallel_loop3A_67, %parallel_loop3A_73 : vector<16xf32>
      %parallel_loop3A_75 = arith.constant 16 : i32
      %parallel_loop3A_76 = arith.muli %parallel_loop3A_56, %parallel_loop3A_75 : i32
      %parallel_loop3A_77 = arith.constant 12288 : i32
      %parallel_loop3A_78 = arith.addi %parallel_loop3A_77, %parallel_loop3A_76 : i32
      %parallel_loop3A_79 = arith.index_cast %parallel_loop3A_78 : i32 to index
      %parallel_loop3A_80 = tpu.vector_load %arg6[%parallel_loop3A_79] {strides = array<i32>} : memref<65536xf32, #tpu.memory_space<vmem>>, vector<16xf32>,
      %parallel_loop3A_81 = arith.addf %parallel_loop3A_74, %parallel_loop3A_80 : vector<16xf32>
      %parallel_loop3A_82 = arith.constant 16 : i32
      %parallel_loop3A_83 = arith.muli %parallel_loop3A_56, %parallel_loop3A_82 : i32
      %parallel_loop3A_84 = arith.constant 16384 : i32
      %parallel_loop3A_85 = arith.addi %parallel_loop3A_84, %parallel_loop3A_83 : i32
      %parallel_loop3A_86 = arith.index_cast %parallel_loop3A_85 : i32 to index
      %parallel_loop3A_87 = tpu.vector_load %arg6[%parallel_loop3A_86] {strides = array<i32>} : memref<65536xf32, #tpu.memory_space<vmem>>, vector<16xf32>,
      %parallel_loop3A_88 = arith.addf %parallel_loop3A_81, %parallel_loop3A_87 : vector<16xf32>
      %parallel_loop3A_89 = arith.constant 16 : i32
      %parallel_loop3A_90 = arith.muli %parallel_loop3A_56, %parallel_loop3A_89 : i32
      %parallel_loop3A_91 = arith.constant 20480 : i32
      %parallel_loop3A_92 = arith.addi %parallel_loop3A_91, %parallel_loop3A_90 : i32
      %parallel_loop3A_93 = arith.index_cast %parallel_loop3A_92 : i32 to index
      %parallel_loop3A_94 = tpu.vector_load %arg6[%parallel_loop3A_93] {strides = array<i32>} : memref<65536xf32, #tpu.memory_space<vmem>>, vector<16xf32>,
      %parallel_loop3A_95 = arith.addf %parallel_loop3A_88, %parallel_loop3A_94 : vector<16xf32>
      %parallel_loop3A_96 = arith.constant 16 : i32
      %parallel_loop3A_97 = arith.muli %parallel_loop3A_56, %parallel_loop3A_96 : i32
      %parallel_loop3A_98 = arith.constant 24576 : i32
      %parallel_loop3A_99 = arith.addi %parallel_loop3A_98, %parallel_loop3A_97 : i32
      %parallel_loop3A_100 = arith.index_cast %parallel_loop3A_99 : i32 to index
      %parallel_loop3A_101 = tpu.vector_load %arg6[%parallel_loop3A_100] {strides = array<i32>} : memref<65536xf32, #tpu.memory_space<vmem>>, vector<16xf32>,
      %parallel_loop3A_102 = arith.addf %parallel_loop3A_95, %parallel_loop3A_101 : vector<16xf32>
      %parallel_loop3A_103 = arith.constant 16 : i32
      %parallel_loop3A_104 = arith.muli %parallel_loop3A_56, %parallel_loop3A_103 : i32
      %parallel_loop3A_105 = arith.constant 28672 : i32
      %parallel_loop3A_106 = arith.addi %parallel_loop3A_105, %parallel_loop3A_104 : i32
      %parallel_loop3A_107 = arith.index_cast %parallel_loop3A_106 : i32 to index
      %parallel_loop3A_108 = tpu.vector_load %arg6[%parallel_loop3A_107] {strides = array<i32>} : memref<65536xf32, #tpu.memory_space<vmem>>, vector<16xf32>,
      %parallel_loop3A_109 = arith.addf %parallel_loop3A_102, %parallel_loop3A_108 : vector<16xf32>
      %parallel_loop3A_110 = arith.constant 16 : i32
      %parallel_loop3A_111 = arith.muli %parallel_loop3A_56, %parallel_loop3A_110 : i32
      %parallel_loop3A_112 = arith.constant 32768 : i32
      %parallel_loop3A_113 = arith.addi %parallel_loop3A_112, %parallel_loop3A_111 : i32
      %parallel_loop3A_114 = arith.index_cast %parallel_loop3A_113 : i32 to index
      %parallel_loop3A_115 = tpu.vector_load %arg6[%parallel_loop3A_114] {strides = array<i32>} : memref<65536xf32, #tpu.memory_space<vmem>>, vector<16xf32>,
      %parallel_loop3A_116 = arith.addf %parallel_loop3A_109, %parallel_loop3A_115 : vector<16xf32>
      %parallel_loop3A_117 = arith.constant 16 : i32
      %parallel_loop3A_118 = arith.muli %parallel_loop3A_56, %parallel_loop3A_117 : i32
      %parallel_loop3A_119 = arith.constant 36864 : i32
      %parallel_loop3A_120 = arith.addi %parallel_loop3A_119, %parallel_loop3A_118 : i32
      %parallel_loop3A_121 = arith.index_cast %parallel_loop3A_120 : i32 to index
      %parallel_loop3A_122 = tpu.vector_load %arg6[%parallel_loop3A_121] {strides = array<i32>} : memref<65536xf32, #tpu.memory_space<vmem>>, vector<16xf32>,
      %parallel_loop3A_123 = arith.addf %parallel_loop3A_116, %parallel_loop3A_122 : vector<16xf32>
      %parallel_loop3A_124 = arith.constant 16 : i32
      %parallel_loop3A_125 = arith.muli %parallel_loop3A_56, %parallel_loop3A_124 : i32
      %parallel_loop3A_126 = arith.constant 40960 : i32
      %parallel_loop3A_127 = arith.addi %parallel_loop3A_126, %parallel_loop3A_125 : i32
      %parallel_loop3A_128 = arith.index_cast %parallel_loop3A_127 : i32 to index
      %parallel_loop3A_129 = tpu.vector_load %arg6[%parallel_loop3A_128] {strides = array<i32>} : memref<65536xf32, #tpu.memory_space<vmem>>, vector<16xf32>,
      %parallel_loop3A_130 = arith.addf %parallel_loop3A_123, %parallel_loop3A_129 : vector<16xf32>
      %parallel_loop3A_131 = arith.constant 16 : i32
      %parallel_loop3A_132 = arith.muli %parallel_loop3A_56, %parallel_loop3A_131 : i32
      %parallel_loop3A_133 = arith.constant 45056 : i32
      %parallel_loop3A_134 = arith.addi %parallel_loop3A_133, %parallel_loop3A_132 : i32
      %parallel_loop3A_135 = arith.index_cast %parallel_loop3A_134 : i32 to index
      %parallel_loop3A_136 = tpu.vector_load %arg6[%parallel_loop3A_135] {strides = array<i32>} : memref<65536xf32, #tpu.memory_space<vmem>>, vector<16xf32>,
      %parallel_loop3A_137 = arith.addf %parallel_loop3A_130, %parallel_loop3A_136 : vector<16xf32>
      %parallel_loop3A_138 = arith.constant 16 : i32
      %parallel_loop3A_139 = arith.muli %parallel_loop3A_56, %parallel_loop3A_138 : i32
      %parallel_loop3A_140 = arith.constant 49152 : i32
      %parallel_loop3A_141 = arith.addi %parallel_loop3A_140, %parallel_loop3A_139 : i32
      %parallel_loop3A_142 = arith.index_cast %parallel_loop3A_141 : i32 to index
      %parallel_loop3A_143 = tpu.vector_load %arg6[%parallel_loop3A_142] {strides = array<i32>} : memref<65536xf32, #tpu.memory_space<vmem>>, vector<16xf32>,
      %parallel_loop3A_144 = arith.addf %parallel_loop3A_137, %parallel_loop3A_143 : vector<16xf32>
      %parallel_loop3A_145 = arith.constant 16 : i32
      %parallel_loop3A_146 = arith.muli %parallel_loop3A_56, %parallel_loop3A_145 : i32
      %parallel_loop3A_147 = arith.constant 53248 : i32
      %parallel_loop3A_148 = arith.addi %parallel_loop3A_147, %parallel_loop3A_146 : i32
      %parallel_loop3A_149 = arith.index_cast %parallel_loop3A_148 : i32 to index
      %parallel_loop3A_150 = tpu.vector_load %arg6[%parallel_loop3A_149] {strides = array<i32>} : memref<65536xf32, #tpu.memory_space<vmem>>, vector<16xf32>,
      %parallel_loop3A_151 = arith.addf %parallel_loop3A_144, %parallel_loop3A_150 : vector<16xf32>
      %parallel_loop3A_152 = arith.constant 16 : i32
      %parallel_loop3A_153 = arith.muli %parallel_loop3A_56, %parallel_loop3A_152 : i32
      %parallel_loop3A_154 = arith.constant 57344 : i32
      %parallel_loop3A_155 = arith.addi %parallel_loop3A_154, %parallel_loop3A_153 : i32
      %parallel_loop3A_156 = arith.index_cast %parallel_loop3A_155 : i32 to index
      %parallel_loop3A_157 = tpu.vector_load %arg6[%parallel_loop3A_156] {strides = array<i32>} : memref<65536xf32, #tpu.memory_space<vmem>>, vector<16xf32>,
      %parallel_loop3A_158 = arith.addf %parallel_loop3A_151, %parallel_loop3A_157 : vector<16xf32>
      %parallel_loop3A_159 = arith.constant 16 : i32
      %parallel_loop3A_160 = arith.muli %parallel_loop3A_56, %parallel_loop3A_159 : i32
      %parallel_loop3A_161 = arith.constant 61440 : i32
      %parallel_loop3A_162 = arith.addi %parallel_loop3A_161, %parallel_loop3A_160 : i32
      %parallel_loop3A_163 = arith.index_cast %parallel_loop3A_162 : i32 to index
      %parallel_loop3A_164 = tpu.vector_load %arg6[%parallel_loop3A_163] {strides = array<i32>} : memref<65536xf32, #tpu.memory_space<vmem>>, vector<16xf32>,
      %parallel_loop3A_165 = arith.addf %parallel_loop3A_158, %parallel_loop3A_164 : vector<16xf32>
      %parallel_loop3A_166 = arith.constant 16 : i32
      %parallel_loop3A_167 = arith.muli %parallel_loop3A_56, %parallel_loop3A_166 : i32
      %parallel_loop3A_168 = arith.index_cast %parallel_loop3A_167 : i32 to index
      %parallel_loop3A_169 = tpu.vector_load %arg7[%parallel_loop3A_168] {strides = array<i32>} : memref<4096xf32, #tpu.memory_space<vmem>>, vector<16xf32>,
      tpu.vector_store %arg7[%parallel_loop3A_168], %parallel_loop3A_165 {strides = array<i32>} : memref<4096xf32, #tpu.memory_space<vmem>>, vector<16xf32>,
    } {sc.loop_unroll_factor = 4 : i64, sc.parallel_access}
    "tpu.region"() ({
      %run_scoped3A = tpu.sem_alloc : memref<!tpu.dma_semaphore, #tpu.memory_space<semaphore_mem>>
      %dma_start3A_56 = arith.constant 0 : i32
      %dma_start3A_57 = tpu.memref_slice %arg3[%add3A, %dma_start3A_56] : memref<32x4096xf32, #tpu.memory_space<hbm>> -> memref<1x4096xf32, #tpu.memory_space<hbm>>
      %dma_start3A_58 = tpu.memref_squeeze %dma_start3A_57 : memref<1x4096xf32, #tpu.memory_space<hbm>> -> memref<4096xf32, #tpu.memory_space<hbm>>
      %dma_start3A_59 = arith.constant 0 : i32
      %dma_start3A_60 = tpu.memref_slice %arg3[%add3A, %dma_start3A_59] : memref<32x4096xf32, #tpu.memory_space<hbm>> -> memref<1x4096xf32, #tpu.memory_space<hbm>>
      %dma_start3A_61 = tpu.memref_squeeze %dma_start3A_60 : memref<1x4096xf32, #tpu.memory_space<hbm>> -> memref<4096xf32, #tpu.memory_space<hbm>>
      tpu.enqueue_dma source(%arg7 : memref<4096xf32, #tpu.memory_space<vmem>>) target(%dma_start3A_61 : memref<4096xf32, #tpu.memory_space<hbm>>) target_semaphore(%run_scoped3A : memref<!tpu.dma_semaphore, #tpu.memory_space<semaphore_mem>>)
      %dma_wait3A_62 = arith.constant 0 : i32
      %dma_wait3A_63 = tpu.memref_slice %arg3[%add3A, %dma_wait3A_62] : memref<32x4096xf32, #tpu.memory_space<hbm>> -> memref<1x4096xf32, #tpu.memory_space<hbm>>
      %dma_wait3A_64 = tpu.memref_squeeze %dma_wait3A_63 : memref<1x4096xf32, #tpu.memory_space<hbm>> -> memref<4096xf32, #tpu.memory_space<hbm>>
      %dma_wait3A_65 = arith.constant 0 : i32
      %dma_wait3A_66 = tpu.memref_slice %arg3[%add3A, %dma_wait3A_65] : memref<32x4096xf32, #tpu.memory_space<hbm>> -> memref<1x4096xf32, #tpu.memory_space<hbm>>
      %dma_wait3A_67 = tpu.memref_squeeze %dma_wait3A_66 : memref<1x4096xf32, #tpu.memory_space<hbm>> -> memref<4096xf32, #tpu.memory_space<hbm>>
      tpu.wait_dma2 semaphore(%run_scoped3A : memref<!tpu.dma_semaphore, #tpu.memory_space<semaphore_mem>>) src(%arg7 : memref<4096xf32, #tpu.memory_space<vmem>>) dst(%dma_wait3A_67 : memref<4096xf32, #tpu.memory_space<hbm>>)
      tpu.yield
    }) : () -> ()
    return
  }
}

module attributes {stable_mosaic.version = 14 : i64} {
  func.func @_loss_body(%arg0: i32, %arg1: i32, %arg2: memref<1x4x8x65536xf32, #tpu.memory_space<vmem>>, %arg3: memref<1x8x65536xi32, #tpu.memory_space<vmem>>, %arg4: memref<1x8x65536xf32, #tpu.memory_space<vmem>>) attributes {dimension_semantics = [#tpu.dimension_semantics<arbitrary>, #tpu.dimension_semantics<arbitrary>], iteration_bounds = array<i64: 2, 2>, scalar_prefetch = 0 : i64, scratch_operands = 0 : i64, tpu.core_type = #tpu.core_type<tc>, window_params = [{transform_indices = @transform_0, window_bounds = array<i64: 1, 4, 8, 65536>}, {transform_indices = @transform_1, window_bounds = array<i64: 1, 8, 65536>}, {transform_indices = @transform_2, window_bounds = array<i64: 1, 8, 65536>}]} {
    %get3A = arith.constant 0 : index
    %get3A_0 = arith.constant 0 : index
    %get3A_1 = arith.constant 0 : index
    %get3A_2 = arith.constant 0 : index
    %get3A_3 = vector.load %arg2[%get3A, %get3A_0, %get3A_1, %get3A_2] : memref<1x4x8x65536xf32, #tpu.memory_space<vmem>>, vector<1x4x8x65536xf32>
    %get3A_4 = vector.shape_cast %get3A_3 : vector<1x4x8x65536xf32> to vector<4x8x65536xf32>
    %get3A_5 = arith.constant 0 : index
    %get3A_6 = arith.constant 0 : index
    %get3A_7 = arith.constant 0 : index
    %get3A_8 = vector.load %arg3[%get3A_5, %get3A_6, %get3A_7] : memref<1x8x65536xi32, #tpu.memory_space<vmem>>, vector<1x8x65536xi32>
    %get3A_9 = vector.shape_cast %get3A_8 : vector<1x8x65536xi32> to vector<8x65536xi32>
    %reduce_max3A = arith.constant dense<0xFF800000> : vector<8x65536xf32>
    %reduce_max3A_10 = vector.multi_reduction <maximumf>, %get3A_4, %reduce_max3A [0] : vector<4x8x65536xf32> to vector<8x65536xf32>
    %broadcast_in_dim3A = vector.shape_cast %reduce_max3A_10 : vector<8x65536xf32> to vector<1x8x65536xf32>
    %sub3A = vector.broadcast %broadcast_in_dim3A : vector<1x8x65536xf32> to vector<4x8x65536xf32>
    %sub3A_11 = arith.subf %get3A_4, %sub3A : vector<4x8x65536xf32>
    %exp3A = math.exp %sub3A_11 : vector<4x8x65536xf32>
    %reduce_sum3A = arith.constant dense<0.000000e+00> : vector<8x65536xf32>
    %reduce_sum3A_12 = vector.multi_reduction <add>, %exp3A, %reduce_sum3A [0] : vector<4x8x65536xf32> to vector<8x65536xf32>
    %log3A = math.log %reduce_sum3A_12 : vector<8x65536xf32>
    %add3A = arith.addf %reduce_max3A_10, %log3A : vector<8x65536xf32>
    %iota3A = tpu.iota {dimensions = array<i32: 0>} : vector<4x8x65536xi32>
    %broadcast_in_dim3A_13 = vector.shape_cast %get3A_9 : vector<8x65536xi32> to vector<1x8x65536xi32>
    %eq3A = vector.broadcast %broadcast_in_dim3A_13 : vector<1x8x65536xi32> to vector<4x8x65536xi32>
    %eq3A_14 = arith.cmpi eq, %iota3A, %eq3A : vector<4x8x65536xi32>
    %jit3A = arith.constant 0.000000e+00 : f32
    %broadcast_in_dim3A_15 = vector.broadcast %jit3A : f32 to vector<4x8x65536xf32>
    %select_n3A = arith.select %eq3A_14, %get3A_4, %broadcast_in_dim3A_15 : vector<4x8x65536xi1>, vector<4x8x65536xf32>
    %reduce_sum3A_16 = arith.constant dense<0.000000e+00> : vector<8x65536xf32>
    %reduce_sum3A_17 = vector.multi_reduction <add>, %select_n3A, %reduce_sum3A_16 [0] : vector<4x8x65536xf32> to vector<8x65536xf32>
    %sub3A_18 = arith.subf %add3A, %reduce_sum3A_17 : vector<8x65536xf32>
    %max3A = arith.constant 0.000000e+00 : f32
    %max3A_19 = vector.broadcast %max3A : f32 to vector<8x65536xf32>
    %max3A_20 = arith.maximumf %sub3A_18, %max3A_19 : vector<8x65536xf32>
    %swap3A = arith.constant 0 : index
    %swap3A_21 = arith.constant 0 : index
    %swap3A_22 = arith.constant 0 : index
    %swap3A_23 = vector.load %arg4[%swap3A, %swap3A_21, %swap3A_22] : memref<1x8x65536xf32, #tpu.memory_space<vmem>>, vector<1x8x65536xf32>
    %swap3A_24 = vector.shape_cast %swap3A_23 : vector<1x8x65536xf32> to vector<8x65536xf32>
    %swap3A_25 = vector.shape_cast %max3A_20 : vector<8x65536xf32> to vector<1x8x65536xf32>
    tpu.vector_store %arg4[%swap3A, %swap3A_21, %swap3A_22], %swap3A_25 {strides = array<i32>} : memref<1x8x65536xf32, #tpu.memory_space<vmem>>, vector<1x8x65536xf32>,
    return
  }
  func.func @transform_0(%arg0: i32, %arg1: i32) -> (i32, i32, i32, i32) {
    %c0_i32 = arith.constant 0 : i32
    %c0_i32_0 = arith.constant 0 : i32
    %c0_i32_1 = arith.constant 0 : i32
    return %arg0, %c0_i32, %c0_i32_0, %arg1 : i32, i32, i32, i32
  }
  func.func @transform_1(%arg0: i32, %arg1: i32) -> (i32, i32, i32) {
    %c0_i32 = arith.constant 0 : i32
    %c0_i32_0 = arith.constant 0 : i32
    return %arg0, %c0_i32, %arg1 : i32, i32, i32
  }
  func.func @transform_2(%arg0: i32, %arg1: i32) -> (i32, i32, i32) {
    %c0_i32 = arith.constant 0 : i32
    %c0_i32_0 = arith.constant 0 : i32
    return %arg0, %c0_i32, %arg1 : i32, i32, i32
  }
}

module attributes {stable_mosaic.version = 14 : i64} {
  func.func @_final_body(%arg0: i32, %arg1: memref<32x32x128xf32, #tpu.memory_space<vmem>>, %arg2: memref<1x8x32768xf32, #tpu.memory_space<vmem>>, %arg3: memref<1x1xf32, #tpu.memory_space<smem>>, %arg4: memref<3xi32, #tpu.memory_space<smem>>, %arg5: memref<6xf32, #tpu.memory_space<smem>>) attributes {dimension_semantics = [#tpu.dimension_semantics<arbitrary>], iteration_bounds = array<i64: 8>, scalar_prefetch = 0 : i64, scratch_operands = 2 : i64, tpu.core_type = #tpu.core_type<tc>, window_params = [{pipeline_mode = #tpu.pipeline_mode<synchronous>, transform_indices = @transform_0, window_bounds = array<i64: 32, 32, 128>}, {transform_indices = @transform_1, window_bounds = array<i64: 1, 8, 32768>}, {transform_indices = @transform_2, window_bounds = array<i64: 1, 1>}]} {
    %eq3A = arith.constant 0 : i32
    %eq3A_0 = arith.cmpi eq, %arg0, %eq3A : i32
    %convert_element_type3A = arith.extui %eq3A_0 : i1 to i32
    %cond3A = arith.constant 0 : i32
    %cond3A_1 = arith.cmpi ne, %convert_element_type3A, %cond3A : i32
    scf.if %cond3A_1 {
      %get3A_91 = arith.constant 0 : index
      %get3A_92 = arith.constant 0 : index
      %get3A_93 = arith.constant 0 : index
      %get3A_94 = vector.load %arg1[%get3A_91, %get3A_92, %get3A_93] : memref<32x32x128xf32, #tpu.memory_space<vmem>>, vector<32x32x128xf32>
      %reduce_sum3A_95 = arith.constant dense<0.000000e+00> : vector<32x128xf32>
      %reduce_sum3A_96 = vector.multi_reduction <add>, %get3A_94, %reduce_sum3A_95 [0] : vector<32x32x128xf32> to vector<32x128xf32>
      %iota3A = tpu.iota {dimensions = array<i32: 0>} : vector<128x128xi32>
      %iota3A_97 = tpu.iota {dimensions = array<i32: 1>} : vector<128x128xi32>
      %ge3A_98 = arith.cmpi sge, %iota3A, %iota3A_97 : vector<128x128xi32>
      %convert_element_type3A_99 = arith.extui %ge3A_98 : vector<128x128xi1> to vector<128x128xi32>
      %convert_element_type3A_100 = arith.sitofp %convert_element_type3A_99 : vector<128x128xi32> to vector<128x128xf32>
      %iota3A_101 = tpu.iota {dimensions = array<i32: 1>} : vector<32x32xi32>
      %iota3A_102 = tpu.iota {dimensions = array<i32: 0>} : vector<32x32xi32>
      %gt3A = arith.cmpi sgt, %iota3A_101, %iota3A_102 : vector<32x32xi32>
      %convert_element_type3A_103 = arith.extui %gt3A : vector<32x32xi1> to vector<32x32xi32>
      %convert_element_type3A_104 = arith.sitofp %convert_element_type3A_103 : vector<32x32xi32> to vector<32x32xf32>
      %dot_general3A = arith.constant dense<0.000000e+00> : vector<32x128xf32>
      %dot_general3A_105 = tpu.matmul %reduce_sum3A_96, %convert_element_type3A_100, %dot_general3A {dimension_numbers = #tpu.dot_dimension_numbers<[1], [0], [0], [1], [0, 0, 1, 1], [], []>, transpose_lhs_hint = false} : vector<32x128xf32>, vector<128x128xf32>, vector<32x128xf32> -> vector<32x128xf32>
      %reduce_sum3A_106 = arith.constant dense<0.000000e+00> : vector<32xf32>
      %reduce_sum3A_107 = vector.multi_reduction <add>, %reduce_sum3A_96, %reduce_sum3A_106 [1] : vector<32x128xf32> to vector<32xf32>
      %reshape3A = vector.shape_cast %reduce_sum3A_107 : vector<32xf32> to vector<1x32xf32>
      %mul3A = vector.broadcast %reshape3A : vector<1x32xf32> to vector<32x32xf32>
      %mul3A_108 = arith.mulf %convert_element_type3A_104, %mul3A : vector<32x32xf32>
      %reduce_sum3A_109 = arith.constant dense<0.000000e+00> : vector<32xf32>
      %reduce_sum3A_110 = vector.multi_reduction <add>, %mul3A_108, %reduce_sum3A_109 [1] : vector<32x32xf32> to vector<32xf32>
      %broadcast_in_dim3A_111 = vector.shape_cast %reduce_sum3A_110 : vector<32xf32> to vector<32x1xf32>
      %add3A_112 = vector.broadcast %broadcast_in_dim3A_111 : vector<32x1xf32> to vector<32x128xf32>
      %add3A_113 = arith.addf %dot_general3A_105, %add3A_112 : vector<32x128xf32>
      %iota3A_114 = tpu.iota {dimensions = array<i32: 0>} : vector<32x128xi32>
      %mul3A_115 = arith.constant 128 : i32
      %mul3A_116 = vector.broadcast %mul3A_115 : i32 to vector<32x128xi32>
      %mul3A_117 = arith.muli %iota3A_114, %mul3A_116 : vector<32x128xi32>
      %iota3A_118 = tpu.iota {dimensions = array<i32: 1>} : vector<32x128xi32>
      %add3A_119 = arith.addi %mul3A_117, %iota3A_118 : vector<32x128xi32>
      %convert_element_type3A_120 = arith.sitofp %add3A_119 : vector<32x128xi32> to vector<32x128xf32>
      %ge3A_121 = arith.constant 6.291450e+05 : f32
      %ge3A_122 = vector.broadcast %ge3A_121 : f32 to vector<32x128xf32>
      %ge3A_123 = arith.cmpf oge, %add3A_113, %ge3A_122 : vector<32x128xf32>
      %jit3A_124 = arith.constant -1.000000e+00 : f32
      %broadcast_in_dim3A_125 = vector.broadcast %jit3A_124 : f32 to vector<32x128xf32>
      %select_n3A_126 = arith.select %ge3A_123, %convert_element_type3A_120, %broadcast_in_dim3A_125 : vector<32x128xi1>, vector<32x128xf32>
      %reduce_max3A = vector.shape_cast %select_n3A_126 : vector<32x128xf32> to vector<1x32x128xf32>
      %reduce_max3A_127 = arith.constant dense<0xFF800000> : vector<1xf32>
      %reduce_max3A_128 = vector.multi_reduction <maximumf>, %reduce_max3A, %reduce_max3A_127 [1, 2] : vector<1x32x128xf32> to vector<1xf32>
      %reduce_max3A_129 = vector.shape_cast %reduce_max3A_128 : vector<1xf32> to vector<1x1x1xf32>
      %reduce_max3A_130 = vector.extract %reduce_max3A_129[0, 0, 0] : f32 from vector<1x1x1xf32>
      %convert_element_type3A_131 = arith.fptosi %reduce_max3A_130 : f32 to i32
      %shift_left3A = arith.constant 19 : i32
      %shift_left3A_132 = arith.shli %convert_element_type3A_131, %shift_left3A : i32
      %swap3A_133 = arith.constant 0 : index
      %swap3A_134 = memref.load %arg4[%swap3A_133] : memref<3xi32, #tpu.memory_space<smem>>
      memref.store %shift_left3A_132, %arg4[%swap3A_133] : memref<3xi32, #tpu.memory_space<smem>>
      %shift_left3A_135 = arith.constant 19 : i32
      %shift_left3A_136 = arith.shli %convert_element_type3A_131, %shift_left3A_135 : i32
      %or3A = arith.constant 262144 : i32
      %or3A_137 = arith.ori %shift_left3A_136, %or3A : i32
      %swap3A_138 = arith.constant 1 : index
      %swap3A_139 = memref.load %arg4[%swap3A_138] : memref<3xi32, #tpu.memory_space<smem>>
      memref.store %or3A_137, %arg4[%swap3A_138] : memref<3xi32, #tpu.memory_space<smem>>
      %add3A_140 = arith.constant 1 : i32
      %add3A_141 = arith.addi %convert_element_type3A_131, %add3A_140 : i32
      %shift_left3A_142 = arith.constant 19 : i32
      %shift_left3A_143 = arith.shli %add3A_141, %shift_left3A_142 : i32
      %swap3A_144 = arith.constant 2 : index
      %swap3A_145 = memref.load %arg4[%swap3A_144] : memref<3xi32, #tpu.memory_space<smem>>
      memref.store %shift_left3A_143, %arg4[%swap3A_144] : memref<3xi32, #tpu.memory_space<smem>>
      %swap3A_146 = arith.constant 0.000000e+00 : f32
      %swap3A_147 = arith.constant 0 : index
      %swap3A_148 = memref.load %arg5[%swap3A_147] : memref<6xf32, #tpu.memory_space<smem>>
      memref.store %swap3A_146, %arg5[%swap3A_147] : memref<6xf32, #tpu.memory_space<smem>>
      %swap3A_149 = arith.constant 0.000000e+00 : f32
      %swap3A_150 = arith.constant 1 : index
      %swap3A_151 = memref.load %arg5[%swap3A_150] : memref<6xf32, #tpu.memory_space<smem>>
      memref.store %swap3A_149, %arg5[%swap3A_150] : memref<6xf32, #tpu.memory_space<smem>>
      %swap3A_152 = arith.constant 0.000000e+00 : f32
      %swap3A_153 = arith.constant 2 : index
      %swap3A_154 = memref.load %arg5[%swap3A_153] : memref<6xf32, #tpu.memory_space<smem>>
      memref.store %swap3A_152, %arg5[%swap3A_153] : memref<6xf32, #tpu.memory_space<smem>>
      %swap3A_155 = arith.constant 0.000000e+00 : f32
      %swap3A_156 = arith.constant 3 : index
      %swap3A_157 = memref.load %arg5[%swap3A_156] : memref<6xf32, #tpu.memory_space<smem>>
      memref.store %swap3A_155, %arg5[%swap3A_156] : memref<6xf32, #tpu.memory_space<smem>>
      %swap3A_158 = arith.constant 0.000000e+00 : f32
      %swap3A_159 = arith.constant 4 : index
      %swap3A_160 = memref.load %arg5[%swap3A_159] : memref<6xf32, #tpu.memory_space<smem>>
      memref.store %swap3A_158, %arg5[%swap3A_159] : memref<6xf32, #tpu.memory_space<smem>>
      %swap3A_161 = arith.constant 0.000000e+00 : f32
      %swap3A_162 = arith.constant 5 : index
      %swap3A_163 = memref.load %arg5[%swap3A_162] : memref<6xf32, #tpu.memory_space<smem>>
      memref.store %swap3A_161, %arg5[%swap3A_162] : memref<6xf32, #tpu.memory_space<smem>>
    } else {
    }
    %get3A = arith.constant 0 : index
    %get3A_2 = arith.constant 0 : index
    %get3A_3 = arith.constant 0 : index
    %get3A_4 = vector.load %arg2[%get3A, %get3A_2, %get3A_3] : memref<1x8x32768xf32, #tpu.memory_space<vmem>>, vector<1x8x32768xf32>
    %get3A_5 = vector.shape_cast %get3A_4 : vector<1x8x32768xf32> to vector<8x32768xf32>
    %bitcast_convert_type3A = tpu.bitcast %get3A_5 : vector<8x32768xf32> -> vector<8x32768xi32>
    %get3A_6 = arith.constant 0 : index
    %get3A_7 = memref.load %arg4[%get3A_6] : memref<3xi32, #tpu.memory_space<smem>>
    %ge3A = vector.broadcast %get3A_7 : i32 to vector<8x32768xi32>
    %ge3A_8 = arith.cmpi sge, %bitcast_convert_type3A, %ge3A : vector<8x32768xi32>
    %get3A_9 = arith.constant 0 : index
    %get3A_10 = memref.load %arg5[%get3A_9] : memref<6xf32, #tpu.memory_space<smem>>
    %jit3A = arith.constant 0.000000e+00 : f32
    %broadcast_in_dim3A = vector.broadcast %jit3A : f32 to vector<8x32768xf32>
    %select_n3A = arith.select %ge3A_8, %get3A_5, %broadcast_in_dim3A : vector<8x32768xi1>, vector<8x32768xf32>
    %reduce_sum3A = vector.shape_cast %select_n3A : vector<8x32768xf32> to vector<1x8x32768xf32>
    %reduce_sum3A_11 = arith.constant dense<0.000000e+00> : vector<1xf32>
    %reduce_sum3A_12 = vector.multi_reduction <add>, %reduce_sum3A, %reduce_sum3A_11 [1, 2] : vector<1x8x32768xf32> to vector<1xf32>
    %reduce_sum3A_13 = vector.shape_cast %reduce_sum3A_12 : vector<1xf32> to vector<1x1x1xf32>
    %reduce_sum3A_14 = vector.extract %reduce_sum3A_13[0, 0, 0] : f32 from vector<1x1x1xf32>
    %add3A = arith.addf %get3A_10, %reduce_sum3A_14 : f32
    %swap3A = arith.constant 0 : index
    %swap3A_15 = memref.load %arg5[%swap3A] : memref<6xf32, #tpu.memory_space<smem>>
    memref.store %add3A, %arg5[%swap3A] : memref<6xf32, #tpu.memory_space<smem>>
    %get3A_16 = arith.constant 1 : index
    %get3A_17 = memref.load %arg5[%get3A_16] : memref<6xf32, #tpu.memory_space<smem>>
    %convert_element_type3A_18 = arith.extui %ge3A_8 : vector<8x32768xi1> to vector<8x32768xi32>
    %convert_element_type3A_19 = arith.sitofp %convert_element_type3A_18 : vector<8x32768xi32> to vector<8x32768xf32>
    %reduce_sum3A_20 = vector.shape_cast %convert_element_type3A_19 : vector<8x32768xf32> to vector<1x8x32768xf32>
    %reduce_sum3A_21 = arith.constant dense<0.000000e+00> : vector<1xf32>
    %reduce_sum3A_22 = vector.multi_reduction <add>, %reduce_sum3A_20, %reduce_sum3A_21 [1, 2] : vector<1x8x32768xf32> to vector<1xf32>
    %reduce_sum3A_23 = vector.shape_cast %reduce_sum3A_22 : vector<1xf32> to vector<1x1x1xf32>
    %reduce_sum3A_24 = vector.extract %reduce_sum3A_23[0, 0, 0] : f32 from vector<1x1x1xf32>
    %add3A_25 = arith.addf %get3A_17, %reduce_sum3A_24 : f32
    %swap3A_26 = arith.constant 1 : index
    %swap3A_27 = memref.load %arg5[%swap3A_26] : memref<6xf32, #tpu.memory_space<smem>>
    memref.store %add3A_25, %arg5[%swap3A_26] : memref<6xf32, #tpu.memory_space<smem>>
    %get3A_28 = arith.constant 1 : index
    %get3A_29 = memref.load %arg4[%get3A_28] : memref<3xi32, #tpu.memory_space<smem>>
    %ge3A_30 = vector.broadcast %get3A_29 : i32 to vector<8x32768xi32>
    %ge3A_31 = arith.cmpi sge, %bitcast_convert_type3A, %ge3A_30 : vector<8x32768xi32>
    %get3A_32 = arith.constant 2 : index
    %get3A_33 = memref.load %arg5[%get3A_32] : memref<6xf32, #tpu.memory_space<smem>>
    %jit3A_34 = arith.constant 0.000000e+00 : f32
    %broadcast_in_dim3A_35 = vector.broadcast %jit3A_34 : f32 to vector<8x32768xf32>
    %select_n3A_36 = arith.select %ge3A_31, %get3A_5, %broadcast_in_dim3A_35 : vector<8x32768xi1>, vector<8x32768xf32>
    %reduce_sum3A_37 = vector.shape_cast %select_n3A_36 : vector<8x32768xf32> to vector<1x8x32768xf32>
    %reduce_sum3A_38 = arith.constant dense<0.000000e+00> : vector<1xf32>
    %reduce_sum3A_39 = vector.multi_reduction <add>, %reduce_sum3A_37, %reduce_sum3A_38 [1, 2] : vector<1x8x32768xf32> to vector<1xf32>
    %reduce_sum3A_40 = vector.shape_cast %reduce_sum3A_39 : vector<1xf32> to vector<1x1x1xf32>
    %reduce_sum3A_41 = vector.extract %reduce_sum3A_40[0, 0, 0] : f32 from vector<1x1x1xf32>
    %add3A_42 = arith.addf %get3A_33, %reduce_sum3A_41 : f32
    %swap3A_43 = arith.constant 2 : index
    %swap3A_44 = memref.load %arg5[%swap3A_43] : memref<6xf32, #tpu.memory_space<smem>>
    memref.store %add3A_42, %arg5[%swap3A_43] : memref<6xf32, #tpu.memory_space<smem>>
    %get3A_45 = arith.constant 3 : index
    %get3A_46 = memref.load %arg5[%get3A_45] : memref<6xf32, #tpu.memory_space<smem>>
    %convert_element_type3A_47 = arith.extui %ge3A_31 : vector<8x32768xi1> to vector<8x32768xi32>
    %convert_element_type3A_48 = arith.sitofp %convert_element_type3A_47 : vector<8x32768xi32> to vector<8x32768xf32>
    %reduce_sum3A_49 = vector.shape_cast %convert_element_type3A_48 : vector<8x32768xf32> to vector<1x8x32768xf32>
    %reduce_sum3A_50 = arith.constant dense<0.000000e+00> : vector<1xf32>
    %reduce_sum3A_51 = vector.multi_reduction <add>, %reduce_sum3A_49, %reduce_sum3A_50 [1, 2] : vector<1x8x32768xf32> to vector<1xf32>
    %reduce_sum3A_52 = vector.shape_cast %reduce_sum3A_51 : vector<1xf32> to vector<1x1x1xf32>
    %reduce_sum3A_53 = vector.extract %reduce_sum3A_52[0, 0, 0] : f32 from vector<1x1x1xf32>
    %add3A_54 = arith.addf %get3A_46, %reduce_sum3A_53 : f32
    %swap3A_55 = arith.constant 3 : index
    %swap3A_56 = memref.load %arg5[%swap3A_55] : memref<6xf32, #tpu.memory_space<smem>>
    memref.store %add3A_54, %arg5[%swap3A_55] : memref<6xf32, #tpu.memory_space<smem>>
    %get3A_57 = arith.constant 2 : index
    %get3A_58 = memref.load %arg4[%get3A_57] : memref<3xi32, #tpu.memory_space<smem>>
    %ge3A_59 = vector.broadcast %get3A_58 : i32 to vector<8x32768xi32>
    %ge3A_60 = arith.cmpi sge, %bitcast_convert_type3A, %ge3A_59 : vector<8x32768xi32>
    %get3A_61 = arith.constant 4 : index
    %get3A_62 = memref.load %arg5[%get3A_61] : memref<6xf32, #tpu.memory_space<smem>>
    %jit3A_63 = arith.constant 0.000000e+00 : f32
    %broadcast_in_dim3A_64 = vector.broadcast %jit3A_63 : f32 to vector<8x32768xf32>
    %select_n3A_65 = arith.select %ge3A_60, %get3A_5, %broadcast_in_dim3A_64 : vector<8x32768xi1>, vector<8x32768xf32>
    %reduce_sum3A_66 = vector.shape_cast %select_n3A_65 : vector<8x32768xf32> to vector<1x8x32768xf32>
    %reduce_sum3A_67 = arith.constant dense<0.000000e+00> : vector<1xf32>
    %reduce_sum3A_68 = vector.multi_reduction <add>, %reduce_sum3A_66, %reduce_sum3A_67 [1, 2] : vector<1x8x32768xf32> to vector<1xf32>
    %reduce_sum3A_69 = vector.shape_cast %reduce_sum3A_68 : vector<1xf32> to vector<1x1x1xf32>
    %reduce_sum3A_70 = vector.extract %reduce_sum3A_69[0, 0, 0] : f32 from vector<1x1x1xf32>
    %add3A_71 = arith.addf %get3A_62, %reduce_sum3A_70 : f32
    %swap3A_72 = arith.constant 4 : index
    %swap3A_73 = memref.load %arg5[%swap3A_72] : memref<6xf32, #tpu.memory_space<smem>>
    memref.store %add3A_71, %arg5[%swap3A_72] : memref<6xf32, #tpu.memory_space<smem>>
    %get3A_74 = arith.constant 5 : index
    %get3A_75 = memref.load %arg5[%get3A_74] : memref<6xf32, #tpu.memory_space<smem>>
    %convert_element_type3A_76 = arith.extui %ge3A_60 : vector<8x32768xi1> to vector<8x32768xi32>
    %convert_element_type3A_77 = arith.sitofp %convert_element_type3A_76 : vector<8x32768xi32> to vector<8x32768xf32>
    %reduce_sum3A_78 = vector.shape_cast %convert_element_type3A_77 : vector<8x32768xf32> to vector<1x8x32768xf32>
    %reduce_sum3A_79 = arith.constant dense<0.000000e+00> : vector<1xf32>
    %reduce_sum3A_80 = vector.multi_reduction <add>, %reduce_sum3A_78, %reduce_sum3A_79 [1, 2] : vector<1x8x32768xf32> to vector<1xf32>
    %reduce_sum3A_81 = vector.shape_cast %reduce_sum3A_80 : vector<1xf32> to vector<1x1x1xf32>
    %reduce_sum3A_82 = vector.extract %reduce_sum3A_81[0, 0, 0] : f32 from vector<1x1x1xf32>
    %add3A_83 = arith.addf %get3A_75, %reduce_sum3A_82 : f32
    %swap3A_84 = arith.constant 5 : index
    %swap3A_85 = memref.load %arg5[%swap3A_84] : memref<6xf32, #tpu.memory_space<smem>>
    memref.store %add3A_83, %arg5[%swap3A_84] : memref<6xf32, #tpu.memory_space<smem>>
    %eq3A_86 = arith.constant 7 : i32
    %eq3A_87 = arith.cmpi eq, %arg0, %eq3A_86 : i32
    %convert_element_type3A_88 = arith.extui %eq3A_87 : i1 to i32
    %cond3A_89 = arith.constant 0 : i32
    %cond3A_90 = arith.cmpi ne, %convert_element_type3A_88, %cond3A_89 : i32
    scf.if %cond3A_90 {
      %get3A_91 = arith.constant 3 : index
      %get3A_92 = memref.load %arg5[%get3A_91] : memref<6xf32, #tpu.memory_space<smem>>
      %ge3A_93 = arith.constant 6.291450e+05 : f32
      %ge3A_94 = arith.cmpf oge, %get3A_92, %ge3A_93 : f32
      %get3A_95 = arith.constant 4 : index
      %get3A_96 = memref.load %arg5[%get3A_95] : memref<6xf32, #tpu.memory_space<smem>>
      %get3A_97 = arith.constant 2 : index
      %get3A_98 = memref.load %arg5[%get3A_97] : memref<6xf32, #tpu.memory_space<smem>>
      %select_n3A_99 = arith.select %ge3A_94, %get3A_96, %get3A_98 : f32
      %get3A_100 = arith.constant 5 : index
      %get3A_101 = memref.load %arg5[%get3A_100] : memref<6xf32, #tpu.memory_space<smem>>
      %get3A_102 = arith.constant 3 : index
      %get3A_103 = memref.load %arg5[%get3A_102] : memref<6xf32, #tpu.memory_space<smem>>
      %select_n3A_104 = arith.select %ge3A_94, %get3A_101, %get3A_103 : f32
      %get3A_105 = arith.constant 2 : index
      %get3A_106 = memref.load %arg5[%get3A_105] : memref<6xf32, #tpu.memory_space<smem>>
      %get3A_107 = arith.constant 4 : index
      %get3A_108 = memref.load %arg5[%get3A_107] : memref<6xf32, #tpu.memory_space<smem>>
      %sub3A = arith.subf %get3A_106, %get3A_108 : f32
      %get3A_109 = arith.constant 0 : index
      %get3A_110 = memref.load %arg5[%get3A_109] : memref<6xf32, #tpu.memory_space<smem>>
      %get3A_111 = arith.constant 2 : index
      %get3A_112 = memref.load %arg5[%get3A_111] : memref<6xf32, #tpu.memory_space<smem>>
      %sub3A_113 = arith.subf %get3A_110, %get3A_112 : f32
      %select_n3A_114 = arith.select %ge3A_94, %sub3A, %sub3A_113 : f32
      %get3A_115 = arith.constant 3 : index
      %get3A_116 = memref.load %arg5[%get3A_115] : memref<6xf32, #tpu.memory_space<smem>>
      %get3A_117 = arith.constant 5 : index
      %get3A_118 = memref.load %arg5[%get3A_117] : memref<6xf32, #tpu.memory_space<smem>>
      %sub3A_119 = arith.subf %get3A_116, %get3A_118 : f32
      %get3A_120 = arith.constant 1 : index
      %get3A_121 = memref.load %arg5[%get3A_120] : memref<6xf32, #tpu.memory_space<smem>>
      %get3A_122 = arith.constant 3 : index
      %get3A_123 = memref.load %arg5[%get3A_122] : memref<6xf32, #tpu.memory_space<smem>>
      %sub3A_124 = arith.subf %get3A_121, %get3A_123 : f32
      %select_n3A_125 = arith.select %ge3A_94, %sub3A_119, %sub3A_124 : f32
      %sub3A_126 = arith.constant 6.291450e+05 : f32
      %sub3A_127 = arith.subf %sub3A_126, %select_n3A_104 : f32
      %div3A = arith.divf %select_n3A_114, %select_n3A_125 : f32
      %mul3A = arith.mulf %sub3A_127, %div3A : f32
      %add3A_128 = arith.addf %select_n3A_99, %mul3A : f32
      %div3A_129 = arith.constant 6.291450e+05 : f32
      %div3A_130 = arith.divf %add3A_128, %div3A_129 : f32
      %swap3A_131 = arith.constant 0 : index
      %swap3A_132 = arith.constant 0 : index
      %swap3A_133 = memref.load %arg3[%swap3A_131, %swap3A_132] : memref<1x1xf32, #tpu.memory_space<smem>>
      memref.store %div3A_130, %arg3[%swap3A_131, %swap3A_132] : memref<1x1xf32, #tpu.memory_space<smem>>
    } else {
    }
    return
  }
  func.func @transform_0(%arg0: i32) -> (i32, i32, i32) {
    %c0_i32 = arith.constant 0 : i32
    %c0_i32_0 = arith.constant 0 : i32
    %c0_i32_1 = arith.constant 0 : i32
    %c0_i32_2 = arith.constant 0 : i32
    return %c0_i32, %c0_i32_0, %c0_i32_1 : i32, i32, i32
  }
  func.func @transform_1(%arg0: i32) -> (i32, i32, i32) {
    %c0_i32 = arith.constant 0 : i32
    %c0_i32_0 = arith.constant 0 : i32
    %c0_i32_1 = arith.constant 0 : i32
    return %arg0, %c0_i32, %c0_i32_0 : i32, i32, i32
  }
  func.func @transform_2(%arg0: i32) -> (i32, i32) {
    %c0_i32 = arith.constant 0 : i32
    %c0_i32_0 = arith.constant 0 : i32
    %c0_i32_1 = arith.constant 0 : i32
    return %c0_i32, %c0_i32_0 : i32, i32
  }
}

</mosaic_0001>

<sc_bundles>
// kernel: kernel.5.cloned.1.call-start
scs
__scs_entry_jumppad:
0x0: {  	(pc) =	sbr.rel $0x88, $3  }
0x1: {  	(tag) =	ssettag $0x0;
	lr =	simm.s32 $0x1  }
0x2: {  	[smem:$0x3F9F] =	sst lr;
	_ =	strace $0xD0000000  }
0x3: {  	_ = 	snop  }
0x4: {  	_ = 	snop  }
0x5: {  	_ = 	snop  }
0x6: {  	_ = 	snop  }
0x7: {  	_ = 	snop  }
__scs_overlays_trampoline_lowered:
0x8: {  	[smem:$0x3FAE] =	sst s0  }
0x9: {  	[smem:$0x3FAF] =	sst s1  }
0xa: {  	[smem:$0x3FB0] =	sst s2  }
0xb: {  	[smem:$0x3FB1] =	sst s3  }
0xc: {  	[smem:$0x3FB2] =	sst s4  }
0xd: {  	[smem:$0x3FB3] =	sst s5  }
0xe: {  	[smem:$0x3FB4] =	sst s6  }
0xf: {  	[smem:$0x3FB5] =	sst s7  }
0x10: {  	[smem:$0x3FB6] =	sst s8  }
0x11: {  	[smem:$0x3FB7] =	sst s9;
	s0 =	simm.s32 @!p0 $0x0  }
0x12: {  	s1 =	sld [smem:$0x3F9D];
	s0 =	simm.s32 @p0 $0x1  }
0x13: {  	[smem:$0x3FB8] =	sst s0;
	s0 =	simm.s32 @!p1 $0x0  }
0x14: {  	s2 =	sld [smem:$0x3F9C];
	s0 =	simm.s32 @p1 $0x1  }
0x15: {  	[smem:$0x3FB9] =	sst s0;
	s0 =	simm.s32 @!p2 $0x0  }
0x16: {  	s3 =	sld [smem:$0x3FDB];
	s0 =	simm.s32 @p2 $0x1  }
0x17: {  	s4 =	simm.s32 $0x1BF5;
	[smem:$0x3FBB] =	sst s0  }
0x18: {  	s0 =	sld [smem:$0x3F9E];
	_ =	swait.ge [sflag:s4], $0x0  }
0x19: {  	s7 =	sld [smem:$0x3F9F]  }
0x1a: {  	s8 =	sadd.s32 $0xFFFFE003, lr  }
0x1b: {  	s9 =	sadd.s32 $0xFFFFFEF7, lr;
	s5 =	simm.s32 $0xFFFFFFFF;
	p2 =	slt.u32 s8, $0xFFFFF086  }
0x1c: {  	p1 =	slt.u32 s9, $0xF7A;
	s5 =	simm.s32 @!p2 $0x0  }
0x1d: {  	s5 =	simm.s32 @p1 $0x1;
	p0 =	seq.s32 s7, s2  }
0x1e: {  	s7 =	smul.u32 @!p0 $0xF7A, s2;
	p2 =	seq.s32 @!p0 s5, $0x0  }
0x1f: {  	s9 =	smul.u32 $0xF7A, s1;
	s8 =	simm.s32 @!p0 $0x1BF5;
	p2 =	por !p2, p0  }
0x20: {  	[sflag:s8] =	ssyncset.s32 @!p0 $0xFFFFF086;
	s6 =	sadd.s32 @!p0 s3, s7;
	s7 =	simm.s32 @!p0 $0x108  }
0x21: {  	s3 =	sadd.s32 s3, s9;
	s6 =	sadd.s32 @!p0 $0x88, s6;
	s7 =	simm.s32 @p2 $0x1082  }
0x22: {  	[simem:s7], [sflag:s8] =	dma.local @!p0 [hbm:s6], $0xF7A  }
0x23: {  	s9 =	sor.u32 $0xD0000000, s2;
	s6 =	simm.s32 $0x108;
	_ =	swait.ge @!p0 [sflag:s8], $0x0  }
0x24: {  	s3 =	sadd.s32 $0x88, s3;
	s6 =	simm.s32 @!p1 $0x1082;
	[sflag:s4] =	ssyncset.s32 $0xFFFFF086  }
0x25: {  	[simem:s6], [sflag:s4] =	dma.local [hbm:s3], $0xF7A  }
0x26: {  	[smem:$0x3F9F] =	sst s1;
	(tag) =	ssettag s2;
	_ =	strace s9  }
0x27: {  	s1 =	sld [smem:$0x3FAF]  }
0x28: {  	s2 =	sld [smem:$0x3FB0]  }
0x29: {  	s4 =	sld [smem:$0x3FB2]  }
0x2a: {  	p0 =	seq.s32 s5, $0x0;
	s5 =	sld [smem:$0x3FB3]  }
0x2b: {  	s6 =	sld [smem:$0x3FB4]  }
0x2c: {  	s7 =	sld [smem:$0x3FB5]  }
0x2d: {  	s3 =	simm.s32 $0x108;
	s8 =	sld [smem:$0x3FB6]  }
0x2e: {  	s3 =	simm.s32 @!p0 $0x1082;
	s9 =	sld [smem:$0x3FB7]  }
0x2f: {  	lr =	sadd.s32 s0, s3;
	s0 =	sld [smem:$0x3FAE]  }
0x30: {  	s3 =	sld [smem:$0x3FB1]  }
0x31: {  	[smem:$0x3FBA] =	sst s10  }
0x32: {  	s10 =	sld [smem:$0x3FB8];
	_ =	sdelay $0x3  }
0x33: {  	p0 =	seq.s32 s10, $0x1;
	s10 =	sld [smem:$0x3FBA];
	_ =	sdelay $0x3  }
0x34: {  	[smem:$0x3FBA] =	sst s10  }
0x35: {  	s10 =	sld [smem:$0x3FB9];
	_ =	sdelay $0x3  }
0x36: {  	p1 =	seq.s32 s10, $0x1;
	s10 =	sld [smem:$0x3FBA];
	_ =	sdelay $0x3  }
0x37: {  	[smem:$0x3FBA] =	sst s10  }
0x38: {  	s10 =	sld [smem:$0x3FBB]  }
0x39: {  	_ = 	snop;
	(pc) =	sbr.ind lr, $3  }
0x3a: {  	_ = 	snop  }
0x3b: {  	_ = 	snop  }
0x3c: {  	p2 =	seq.s32 s10, $0x1;
	s10 =	sld [smem:$0x3FBA]  }
0x3d: {  	_ =	shalt  }
0x3e: {  	_ =	shalt  }
0x3f: {  	_ =	shalt  }
0x40: {  	_ =	shalt  }
0x41: {  	_ =	shalt  }
0x42: {  	_ =	shalt  }
0x43: {  	_ =	shalt  }
0x44: {  	_ =	shalt  }
0x45: {  	_ =	shalt  }
0x46: {  	_ =	shalt  }
0x47: {  	_ =	shalt  }
0x48: {  	_ =	shalt  }
0x49: {  	_ =	shalt  }
0x4a: {  	_ =	shalt  }
0x4b: {  	_ =	shalt  }
0x4c: {  	_ =	shalt  }
0x4d: {  	_ =	shalt  }
0x4e: {  	_ =	shalt  }
0x4f: {  	_ =	shalt  }
0x50: {  	_ =	shalt  }
0x51: {  	_ =	shalt  }
0x52: {  	_ =	shalt  }
0x53: {  	_ =	shalt  }
0x54: {  	_ =	shalt  }
0x55: {  	_ =	shalt  }
0x56: {  	_ =	shalt  }
0x57: {  	_ =	shalt  }
0x58: {  	_ =	shalt  }
0x59: {  	_ =	shalt  }
0x5a: {  	_ =	shalt  }
0x5b: {  	_ =	shalt  }
0x5c: {  	_ =	shalt  }
0x5d: {  	_ =	shalt  }
0x5e: {  	_ =	shalt  }
0x5f: {  	_ =	shalt  }
0x60: {  	_ =	shalt  }
0x61: {  	_ =	shalt  }
0x62: {  	_ =	shalt  }
0x63: {  	_ =	shalt  }
0x64: {  	_ =	shalt  }
0x65: {  	_ =	shalt  }
0x66: {  	_ =	shalt  }
0x67: {  	_ =	shalt  }
0x68: {  	_ =	shalt  }
0x69: {  	_ =	shalt  }
0x6a: {  	_ =	shalt  }
0x6b: {  	_ =	shalt  }
0x6c: {  	_ =	shalt  }
0x6d: {  	_ =	shalt  }
0x6e: {  	_ =	shalt  }
0x6f: {  	_ =	shalt  }
0x70: {  	_ =	shalt  }
0x71: {  	_ =	shalt  }
0x72: {  	_ =	shalt  }
0x73: {  	_ =	shalt  }
0x74: {  	_ =	shalt  }
0x75: {  	_ =	shalt  }
0x76: {  	_ =	shalt  }
0x77: {  	_ =	shalt  }
0x78: {  	_ =	shalt  }
0x79: {  	_ =	shalt  }
0x7a: {  	_ =	shalt  }
0x7b: {  	_ =	shalt  }
0x7c: {  	_ =	shalt  }
0x7d: {  	_ =	shalt  }
0x7e: {  	_ =	shalt  }
0x7f: {  	_ =	shalt  }
0x80: {  	_ =	shalt  }
0x81: {  	_ =	shalt  }
0x82: {  	_ =	shalt  }
0x83: {  	_ =	shalt  }
0x84: {  	_ =	shalt  }
0x85: {  	_ =	shalt  }
0x86: {  	_ =	shalt  }
0x87: {  	_ =	shalt  }
.Lfunc_end0:
.L_simem_size_0:
called_computation_lowered:
.L_overlay_start_0:
0x88: {  	s2 =	sld [smem:$0x3FD9]  }
0x89: {  	s3 =	sld [smem:$0x3FFE];
	_ =	sdelay $0x1  }
0x8a: {  	s1 =	srdreg.scid  }
0x8b: {  	s0 =	sand.u32 $0x1, s1  }
0x8c: {  	s16 =	sshll.u32 s0, $0xA;
	s2 =	sadd.s32 s3, s2  }
0x8d: {  	s2 =	sadd.s32 s2, s16  }
0x8e: {  	[smem:$0x3FC6] =	sst s2  }
0x8f: {  	_ = 	snop  }
0x90: {  	(tm) =	ssettm $0x1  }
0x91: {  	s17 =	sld [smem:$0x3FFB];
	_ =	sdelay $0x3  }
0x92: {  	_ =	strace s17  }
0x93: {  	s2 =	sld [smem:$0x3FFC];
	_ =	sdelay $0x3  }
0x94: {  	_ =	strace s2  }
0x95: {  	s2 =	sld [smem:$0x3FFD];
	_ =	sdelay $0x3  }
0x96: {  	_ =	strace s2  }
0x97: {  	_ =	strace $0x8FFFFFFF  }
0x98: {  	s18 =	sld [smem:$0x3FDB];
	_ =	sdelay $0x1  }
0x99: {  	s19 =	simm.s32 $_scs_section_size  }
0x9a: {  	s4 =	simm.s32 $_size__tile_overlayer_lowered;
	s5 =	simm.s32 $_tile_overlayer_lowered  }
0x9b: {  	s22 =	simm.s32 $0x1BFF;
	s21 =	sshll.u32 s5, $0x1;
	s2 =	sadd.s32 s19, s18  }
0x9c: {  	s6 =	simm.s32 $0x0;
	s20 =	sshll.u32 s4, $0x1;
	s4 =	sadd.s32 s21, s2  }
0x9d: {  	[timem:s6], [sflag:s22] =	dma.local [hbm:s4], s20  }
0x9e: {  	_ =	swait.ge [sflag:s22], s20  }
0x9f: {  	s3 =	ssub.s32 $0x0, s20;
	[sflag:s22] =	ssyncset.done $0x0  }
0xa0: {  	[sflag:s22] =	ssyncadd.s32 s3;
	_ =	sdelay $0x1  }
0xa1: {  	s23 =	simm.s32 $0x1B8B  }
0xa2: {  	_ =	swait.ge [sflag:s23], $0x1  }
0xa3: {  	[sflag:s23] =	ssyncset.done $0x0  }
0xa4: {  	s25 =	simm.s32 $0x1B8E;
	s24 =	sld [smem:$0x3FFE];
	[sflag:s23] =	ssyncadd.s32 $0xFFFFFFFF  }
0xa5: {  	s26 =	simm.s32 $execute0_lowered;
	[smem:$0x3FD2] =	sst s25  }
0xa6: {  	s4 =	sshll.u32 s26, $0x1;
	_ =	strace $0x80000046;
	[dreg:$0x1] =	wrdreg $0xFFFFFFFF  }
0xa7: {  	s28 =	simm.s32 $_size_execute0_lowered;
	s2 =	sadd.s32 s2, s4;
	[dreg:$0x0] =	wrdreg $0x0  }
0xa8: {  	s4 =	sshll.u32 s28, $0x1;
	[dreg:$0x2] =	wrdreg s2  }
0xa9: {  	[dreg:$0x3] =	wrdreg s4  }
0xaa: {  	[dreg:$0x4] =	wrdreg $0xC0  }
0xab: {  	_ =	task [dreg:s6], $0x5FFFF  }
0xac: {  	[dreg:$0x1] =	wrdreg $0xFFFFFFFF  }
0xad: {  	[dreg:$0x0] =	wrdreg $0x60  }
0xae: {  	[dreg:$0x2] =	wrdreg s24  }
0xaf: {  	[dreg:$0x3] =	wrdreg $0x9  }
0xb0: {  	_ =	task.clear_ibuf [dreg:s6], $0x4FFFF;
	_ =	strace $0x90000046  }
0xb1: {  	s29 =	simm.s32 $0x9;
	_ =	strace $0x80000048  }
0xb2: {  	_ =	swait.ge [sflag:s29], $0x1  }
0xb3: {  	[sflag:s29] =	ssyncadd.s32 $0xFFFFFFFF  }
0xb4: {  	_ =	strace $0x90000048  }
0xb5: {  	_ =	sfence  }
0xb6: {  	s30 =	sld [smem:$0x0];
	_ =	sdelay $0x2  }
0xb7: {  	s31 =	sshll.u32 s1, $0xD;
	s1 =	sshrl.u32 s1, $0x2  }
0xb8: {  	s3 =	sand.u32 $0x4000, s31;
	s1 =	sadd.s32 s1, s30  }
0xb9: {  	s0 =	sor.u32 s3, s0;
	s1 =	sshll.u32 s1, $0x11  }
0xba: {  	s0 =	sor.u32 s1, s0  }
0xbb: {  	s0 =	sadd.s32 $0x8F2B, s0  }
0xbc: {  	[sflag:s0] =	ssyncadd.remote.s32 $0x1  }
0xbd: {  	_ =	sfence.sel $0xFFFF  }
0xbe: {  	[dreg:$0x0] =	wrdreg $0xFFFFFFFF;
	(pc) =	sbr.abs _section_cstart, $3  }
0xbf: {  	[dreg:$0x1] =	wrdreg $0xFFFFFFFF  }
0xc0: {  	_ =	task.clear_ibuf [dreg:s6], $0x2FFFF;
	_ =	strace $0x9FFFFFFF  }
0xc1: {  	(tm) =	ssettm $0x7FFFFFFF  }
tec
execute0_lowered:
.L_overlay_start_1:
0x0: {  	(tag) =	ssettag $0x1  }
0x1: {  	s3 =	rddreg [dreg:$0x0]  }
0x2: {  	s0 =	rddreg [dreg:$0x1];
	s4 =	srdreg.scid  }
0x3: {  	s1 =	stileid.u32;
	s2 =	simm.s32 $0x0;
	s10 =	simm.s32 $0x1  }
0x4: {  	s11 =	simm.s32 $0x8000;
	s12 =	simm.s32 $0x2;
	s13 =	simm.s32 $0x80  }
0x5: {  	s14 =	simm.s32 $0x400;
	s15 =	simm.s32 $0x18000;
	s16 =	simm.s32 $0x3  }
0x6: {  	s17 =	simm.s32 $0x0;
	s4 =	sand.u32 $0x1, s4;
	s5 =	sshll.u32 s1, $0x1  }
0x7: {  	[smem:$0x7FF] =	sst s2;
	s7 =	sshll.u32 s1, $0xA;
	s5 =	sor.u32 s4, s5  }
0x8: {  	_ =	strace $0x80000047;
	s7 =	sand.u32 $0x3000, s7;
	s4 =	ssub.s32 $0x2, s4  }
0x9: {  	s6 =	sshll.u32 s5, $0xD;
	s7 =	sadd.s32 s7, s3;
	s31 =	sshrl.u32 s4, $0x1  }
0xa: {  	s5 =	sshll.u32 s5, $0x4;
	s6 =	sadd.s32 s6, s3;
	s8 =	ssub.s32 s4, s31  }
0xb: {  	s9 =	sand.u32 $0x70, s5;
	s3 =	sadd.s32 $0x400, s6;
	s4 =	sadd.s32 $0xC00, s6  }
0xc: {  	v1 =	vlaneseq.u32;
	s5 =	sadd.s32 $0x1400, s6;
	s7 =	sadd.s32 s9, s7;
	s6 =	sadd.s32 $0x1C00, s6  }
0xd: {  	v0 =	vimm.f32 $0.0e+00;
	v2 =	vimm.f32 $1.000000000e+00;
	v1 =	vmul.u32 $0x1000, v1;
	s8 =	smax.u32 s8, $0x1;
	s9 =	simm.s32 $0x4000;
	s7 =	sadd.s32 $0x40400, s7  }
.LBB2_1:
0xe: {  	s18 =	simm.s32 $0x8080  }
0xf: {  	[tilespmem:s18+$0xFFFFFF80] =	vst v0  }
0x10: {  	[tilespmem:s18+$0x70] =	vst v0  }
0x11: {  	[tilespmem:s18+$0x60] =	vst v0  }
0x12: {  	[tilespmem:s18+$0x50] =	vst v0  }
0x13: {  	[tilespmem:s18+$0x40] =	vst v0  }
0x14: {  	[tilespmem:s18+$0x30] =	vst v0  }
0x15: {  	[tilespmem:s18+$0x20] =	vst v0  }
0x16: {  	[tilespmem:s18+$0x10] =	vst v0  }
0x17: {  	[tilespmem:s18+$0x0] =	vst v0  }
0x18: {  	[tilespmem:s18+$0xFFFFFFF0] =	vst v0  }
0x19: {  	[tilespmem:s18+$0xFFFFFFE0] =	vst v0  }
0x1a: {  	[tilespmem:s18+$0xFFFFFFD0] =	vst v0  }
0x1b: {  	[tilespmem:s18+$0xFFFFFFC0] =	vst v0  }
0x1c: {  	[tilespmem:s18+$0xFFFFFFB0] =	vst v0  }
0x1d: {  	s19 =	simm.s32 $0x0;
	[tilespmem:s18+$0xFFFFFFA0] =	vst v0  }
.LBB2_2:
0x1e: {  	s19 =	sadd.s32 $0x10, s19;
	[tilespmem:s18+$0xFFFFFF90] =	vst v0;
	s18 =	sadd.s32 $0x100, s18  }
0x1f: {  	[tilespmem:s18+$0xFFFFFF80] =	vst v0;
	p0 =	slt.u32 s19, $0xFF0  }
0x20: {  	[tilespmem:s18+$0x70] =	vst v0  }
0x21: {  	[tilespmem:s18+$0x60] =	vst v0  }
0x22: {  	[tilespmem:s18+$0x50] =	vst v0  }
0x23: {  	[tilespmem:s18+$0x40] =	vst v0  }
0x24: {  	[tilespmem:s18+$0x30] =	vst v0  }
0x25: {  	[tilespmem:s18+$0x20] =	vst v0  }
0x26: {  	[tilespmem:s18+$0x10] =	vst v0  }
0x27: {  	[tilespmem:s18+$0x0] =	vst v0  }
0x28: {  	[tilespmem:s18+$0xFFFFFFF0] =	vst v0  }
.Ltmp0:
0x29: {  	[tilespmem:s18+$0xFFFFFFE0] =	vst v0;
	(pc) =	sbr.rel @p0 .LBB2_2-.Ltmp0, $4  }
0x2a: {  	[tilespmem:s18+$0xFFFFFFD0] =	vst v0  }
0x2b: {  	[tilespmem:s18+$0xFFFFFFC0] =	vst v0  }
0x2c: {  	[tilespmem:s18+$0xFFFFFFB0] =	vst v0  }
0x2d: {  	[tilespmem:s18+$0xFFFFFFA0] =	vst v0  }
0x2e: {  	[tilespmem:s18+$0xFFFFFF90] =	vst v0  }
0x2f: {  	[tilespmem:s2], [sflag:$0x1] =	stream.linear.gather [hbm4b:s3+s2], $0x4000, $0x38;
	[tilespmem:$0x19000] =	vst v63  }
0x30: {  	_ = 	snop  }
0x31: {  	[tilespmem:s9], [sflag:$0x2] =	stream.linear.gather [hbm4b:s4+s2], $0x4000, $0x38;
	[tilespmem:$0x19000] =	vst v63  }
0x32: {  	_ =	swait.ge [sflag:s10], $0x4000  }
0x33: {  	[sflag:s10] =	ssyncset.done $0x0  }
0x34: {  	s31 =	simm.s32 $0x80;
	[sflag:s10] =	ssyncadd.s32 $0xFFFFC000  }
0x35: {  	v3 =	vld [tilespmem:s31+$0xFFFFFFE0]  }
0x36: {  	v4 =	vld [tilespmem:s31+$0xFFFFFFF0]  }
0x37: {  	v5 =	vld [tilespmem:s31+$0x40]  }
0x38: {  	v6 =	vld [tilespmem:s31+$0x20]  }
0x39: {  	v7 =	vld [tilespmem:s31+$0x10]  }
0x3a: {  	v8 =	vld [tilespmem:s31+$0x0]  }
0x3b: {  	v9 =	vld [tilespmem:s31+$0xFFFFFFD0]  }
0x3c: {  	v10 =	vld [tilespmem:s31+$0xFFFFFFC0]  }
0x3d: {  	v11 =	vld [tilespmem:s31+$0xFFFFFFB0]  }
0x3e: {  	v12 =	vld [tilespmem:s31+$0xFFFFFFA0]  }
0x3f: {  	v14 =	vld [tilespmem:s31+$0xFFFFFF90];
	_ =	sdelay $0x1  }
0x40: {  	v21 =	vshrl.u32 v3, $0x13;
	v7 =	vshrl.u32 v7, $0x13;
	v6 =	vshrl.u32 v6, $0x13  }
0x41: {  	v3 =	vshrl.u32 v4, $0x13;
	v13 =	vshrl.u32 v8, $0x13;
	v5 =	vshrl.u32 v5, $0x13  }
0x42: {  	v17 =	vshrl.u32 v9, $0x13;
	v10 =	vshrl.u32 v10, $0x13;
	v11 =	vshrl.u32 v11, $0x13  }
0x43: {  	v12 =	vshrl.u32 v12, $0x13;
	v19 =	vshrl.u32 v14, $0x13;
	v4 =	vadd.s32 v1, v3  }
0x44: {  	v8 =	vadd.s32 v1, v13;
	v16 =	vand.u32 $0x7F, v5;
	v23 =	vadd.s32 v1, v7  }
0x45: {  	v18 =	vadd.s32 v1, v17;
	v9 =	vand.u32 $0x7F, v13;
	v24 =	vadd.s32 v1, v10  }
0x46: {  	v5 =	vadd.s32 v1, v5;
	v15 =	vadd.s32 v1, v11;
	v13 =	vand.u32 $0x7F, v6  }
0x47: {  	v11 =	vand.u32 $0x7F, v11;
	v14 =	vadd.s32 v1, v19;
	v5 =	vand.u32 $0x1FF80, v5  }
0x48: {  	v10 =	vand.u32 $0x7F, v10;
	v20 =	vand.u32 $0x1FF80, v15;
	v15 =	vld [tilespmem:s31+$0x30];
	v25 =	vor.u32 v16, v5  }
0x49: {  	v8 =	vand.u32 $0x1FF80, v8;
	v5 =	vand.u32 $0x1FF80, v14;
	v26 =	vor.u32 v11, v20;
	v14 =	vld [tilespmem:s31+$0x50]  }
0x4a: {  	v11 =	vadd.s32 v1, v6;
	v20 =	vld [tilespmem:s31+$0xFFFFFF80];
	v6 =	vand.u32 $0x7F, v19;
	v16 =	vadd.s32 v1, v12  }
0x4b: {  	v23 =	vand.u32 $0x1FF80, v23;
	v6 =	vor.u32 v6, v5;
	v5 =	vand.u32 $0x1FF80, v16;
	v16 =	vld [tilespmem:s31+$0x70]  }
0x4c: {  	v12 =	vand.u32 $0x7F, v12;
	v22 =	vand.u32 $0x1FF80, v11;
	v11 =	vand.u32 $0x7F, v17;
	v17 =	vld [tilespmem:s31+$0x60]  }
0x4d: {  	v19 =	vand.u32 $0x7F, v7;
	v7 =	vand.u32 $0x1FF80, v24;
	v5 =	vor.u32 v12, v5;
	[tilespmem:v25+s11+$0x0] =	vst.idx.add.f32.msk $0xffff, v2  }
0x4e: {  	s18 =	simm.s32 $0x0;
	s19 =	simm.s32 $0x180;
	v12 =	vand.u32 $0x1FF80, v18;
	v18 =	vand.u32 $0x7F, v21;
	v21 =	vadd.s32 v1, v21;
	[tilespmem:v26+s11+$0x0] =	vst.idx.add.f32.msk $0xffff, v2  }
.LBB2_4:
0x4f: {  	v24 =	vld [tilespmem:s19+$0xFFFFFFE0];
	s18 =	sadd.s32 $0x10, s18;
	v20 =	vshrl.u32 v20, $0x13;
	v21 =	vand.u32 $0x1FF80, v21;
	v13 =	vor.u32 v13, v22  }
0x50: {  	v19 =	vor.u32 v19, v23;
	v22 =	vld [tilespmem:s19+$0xFFFFFF90];
	p0 =	slt.u32 s18, $0x3F0;
	v25 =	vadd.s32 v1, v20;
	v18 =	vor.u32 v18, v21  }
0x51: {  	v15 =	vshrl.u32 v15, $0x13;
	v20 =	vand.u32 $0x7F, v20;
	v21 =	vld [tilespmem:s19+$0xFFFFFFA0];
	v23 =	vand.u32 $0x1FF80, v25  }
0x52: {  	v17 =	vshrl.u32 v17, $0x13;
	v25 =	vld [tilespmem:s19+$0xFFFFFFB0];
	v20 =	vor.u32 v20, v23;
	v23 =	vadd.s32 v1, v15  }
0x53: {  	v8 =	vor.u32 v9, v8;
	v9 =	vshrl.u32 v14, $0x13;
	v14 =	vadd.s32 v1, v17;
	v26 =	vld [tilespmem:s19+$0xFFFFFFF0]  }
0x54: {  	v17 =	vand.u32 $0x7F, v17;
	v14 =	vand.u32 $0x1FF80, v14;
	[tilespmem:v13+s11+$0x0] =	vst.idx.add.f32.msk $0xffff, v2;
	v13 =	vand.u32 $0x1FF80, v23  }
0x55: {  	v16 =	vshrl.u32 v16, $0x13;
	v14 =	vor.u32 v17, v14;
	[tilespmem:v19+s11+$0x0] =	vst.idx.add.f32.msk $0xffff, v2;
	v19 =	vadd.s32 v1, v9  }
0x56: {  	v23 =	vadd.s32 v1, v16;
	v9 =	vand.u32 $0x7F, v9;
	v17 =	vld [tilespmem:s19+$0xFFFFFFC0];
	v19 =	vand.u32 $0x1FF80, v19  }
0x57: {  	v11 =	vor.u32 v11, v12;
	v12 =	vand.u32 $0x1FF80, v23;
	v27 =	vld [tilespmem:s19+$0xFFFFFFD0];
	v9 =	vor.u32 v9, v19  }
0x58: {  	v4 =	vand.u32 $0x1FF80, v4;
	v3 =	vand.u32 $0x7F, v3;
	v16 =	vand.u32 $0x7F, v16;
	v19 =	vld [tilespmem:s19+$0x40]  }
0x59: {  	v3 =	vor.u32 v3, v4;
	v4 =	vand.u32 $0x7F, v15;
	[tilespmem:v8+s11+$0x0] =	vst.idx.add.f32.msk $0xffff, v2;
	v8 =	vor.u32 v16, v12  }
0x5a: {  	v4 =	vor.u32 v4, v13;
	v12 =	vld [tilespmem:s19+$0x20]  }
0x5b: {  	v13 =	vld [tilespmem:s19+$0x10]  }
0x5c: {  	v15 =	vld [tilespmem:s19+$0x0]  }
0x5d: {  	[tilespmem:v9+s11+$0x0] =	vst.idx.add.f32.msk $0xffff, v2  }
0x5e: {  	[tilespmem:v8+s11+$0x0] =	vst.idx.add.f32.msk $0xffff, v2  }
0x5f: {  	v23 =	vshrl.u32 v24, $0x13;
	[tilespmem:v4+s11+$0x0] =	vst.idx.add.f32.msk $0xffff, v2  }
0x60: {  	v7 =	vor.u32 v10, v7;
	v12 =	vshrl.u32 v12, $0x13;
	v16 =	vshrl.u32 v13, $0x13;
	[tilespmem:v3+s11+$0x0] =	vst.idx.add.f32.msk $0xffff, v2  }
0x61: {  	v10 =	vshrl.u32 v19, $0x13;
	v3 =	vshrl.u32 v26, $0x13;
	v9 =	vshrl.u32 v15, $0x13;
	[tilespmem:v20+s11+$0x0] =	vst.idx.add.f32.msk $0xffff, v2  }
0x62: {  	v19 =	vand.u32 $0x7F, v10;
	v4 =	vadd.s32 v1, v3;
	v8 =	vadd.s32 v1, v9;
	[tilespmem:v6+s11+$0x0] =	vst.idx.add.f32.msk $0xffff, v2  }
0x63: {  	v24 =	vshrl.u32 v27, $0x13;
	v26 =	vadd.s32 v1, v16;
	v8 =	vand.u32 $0x1FF80, v8;
	[tilespmem:v14+s11+$0x0] =	vst.idx.add.f32.msk $0xffff, v2  }
0x64: {  	v27 =	vshrl.u32 v17, $0x13;
	v28 =	vadd.s32 v1, v24;
	v9 =	vand.u32 $0x7F, v9;
	[tilespmem:v11+s11+$0x0] =	vst.idx.add.f32.msk $0xffff, v2  }
0x65: {  	v10 =	vadd.s32 v1, v10;
	v6 =	vshrl.u32 v25, $0x13;
	v11 =	vadd.s32 v1, v27;
	[tilespmem:v18+s11+$0x0] =	vst.idx.add.f32.msk $0xffff, v2  }
0x66: {  	v17 =	vshrl.u32 v21, $0x13;
	v13 =	vand.u32 $0x7F, v12;
	v14 =	vadd.s32 v1, v6;
	[tilespmem:v7+s11+$0x0] =	vst.idx.add.f32.msk $0xffff, v2  }
0x67: {  	v10 =	vand.u32 $0x1FF80, v10;
	v6 =	vand.u32 $0x7F, v6;
	v7 =	vshrl.u32 v22, $0x13;
	[tilespmem:v5+s11+$0x0] =	vst.idx.add.f32.msk $0xffff, v2  }
0x68: {  	v10 =	vor.u32 v19, v10;
	v14 =	vand.u32 $0x1FF80, v14;
	v5 =	vadd.s32 v1, v7;
	v15 =	vld [tilespmem:s19+$0x30]  }
0x69: {  	v12 =	vadd.s32 v1, v12;
	v21 =	vor.u32 v6, v14;
	v5 =	vand.u32 $0x1FF80, v5;
	v14 =	vld [tilespmem:s19+$0x50]  }
.Ltmp1:
0x6a: {  	v19 =	vand.u32 $0x7F, v16;
	v6 =	vand.u32 $0x7F, v7;
	v7 =	vadd.s32 v1, v17;
	v20 =	vld [tilespmem:s19+$0xFFFFFF80];
	(pc) =	sbr.rel @p0 .LBB2_4-.Ltmp1, $4  }
0x6b: {  	v22 =	vand.u32 $0x1FF80, v12;
	v6 =	vor.u32 v6, v5;
	v5 =	vand.u32 $0x1FF80, v7;
	v16 =	vld [tilespmem:s19+$0x70]  }
0x6c: {  	v12 =	vand.u32 $0x7F, v17;
	v7 =	vand.u32 $0x1FF80, v11;
	v11 =	vand.u32 $0x7F, v24;
	v17 =	vld [tilespmem:s19+$0x60]  }
0x6d: {  	v18 =	vand.u32 $0x7F, v23;
	v5 =	vor.u32 v12, v5;
	v12 =	vand.u32 $0x1FF80, v28;
	[tilespmem:v10+s11+$0x0] =	vst.idx.add.f32.msk $0xffff, v2  }
0x6e: {  	s19 =	sadd.s32 $0x100, s19;
	v10 =	vand.u32 $0x7F, v27;
	[tilespmem:v21+s11+$0x0] =	vst.idx.add.f32.msk $0xffff, v2;
	v21 =	vadd.s32 v1, v23;
	v23 =	vand.u32 $0x1FF80, v26  }
0x6f: {  	v20 =	vshrl.u32 v20, $0x13;
	v13 =	vor.u32 v13, v22;
	v19 =	vor.u32 v19, v23  }
0x70: {  	v15 =	vshrl.u32 v15, $0x13;
	v14 =	vshrl.u32 v14, $0x13;
	v8 =	vor.u32 v9, v8  }
0x71: {  	v4 =	vand.u32 $0x1FF80, v4;
	v3 =	vand.u32 $0x7F, v3;
	v11 =	vor.u32 v11, v12  }
0x72: {  	v22 =	vadd.s32 v1, v20;
	v23 =	vadd.s32 v1, v15;
	v9 =	vadd.s32 v1, v14  }
0x73: {  	[tilespmem:v6+s11+$0x0] =	vst.idx.add.f32.msk $0xffff, v2;
	v16 =	vshrl.u32 v16, $0x13;
	v14 =	vand.u32 $0x7F, v14;
	v15 =	vand.u32 $0x7F, v15  }
0x74: {  	[tilespmem:v5+s11+$0x0] =	vst.idx.add.f32.msk $0xffff, v2;
	v3 =	vor.u32 v3, v4;
	v9 =	vand.u32 $0x1FF80, v9;
	v24 =	vadd.s32 v1, v16  }
0x75: {  	v16 =	vand.u32 $0x7F, v16;
	v9 =	vor.u32 v14, v9;
	v14 =	vand.u32 $0x1FF80, v24;
	[tilespmem:v13+s11+$0x0] =	vst.idx.add.f32.msk $0xffff, v2  }
0x76: {  	v22 =	vand.u32 $0x1FF80, v22;
	v23 =	vand.u32 $0x1FF80, v23;
	v14 =	vor.u32 v16, v14;
	[tilespmem:v19+s11+$0x0] =	vst.idx.add.f32.msk $0xffff, v2  }
0x77: {  	v16 =	vshrl.u32 v17, $0x13;
	v13 =	vor.u32 v15, v23;
	v15 =	vand.u32 $0x7F, v20;
	[tilespmem:v8+s11+$0x0] =	vst.idx.add.f32.msk $0xffff, v2  }
0x78: {  	[tilespmem:v11+s11+$0x0] =	vst.idx.add.f32.msk $0xffff, v2;
	v4 =	vor.u32 v15, v22;
	v15 =	vadd.s32 v1, v16  }
0x79: {  	[tilespmem:v3+s11+$0x0] =	vst.idx.add.f32.msk $0xffff, v2;
	v3 =	vor.u32 v10, v7;
	v8 =	vand.u32 $0x1FF80, v15;
	v15 =	vand.u32 $0x7F, v16  }
0x7a: {  	[tilespmem:v9+s11+$0x0] =	vst.idx.add.f32.msk $0xffff, v2;
	v8 =	vor.u32 v15, v8;
	v9 =	vand.u32 $0x1FF80, v21  }
0x7b: {  	[tilespmem:v14+s11+$0x0] =	vst.idx.add.f32.msk $0xffff, v2;
	v9 =	vor.u32 v18, v9  }
0x7c: {  	[tilespmem:v13+s11+$0x0] =	vst.idx.add.f32.msk $0xffff, v2  }
0x7d: {  	[tilespmem:v4+s11+$0x0] =	vst.idx.add.f32.msk $0xffff, v2  }
0x7e: {  	[tilespmem:v3+s11+$0x0] =	vst.idx.add.f32.msk $0xffff, v2  }
0x7f: {  	[tilespmem:v8+s11+$0x0] =	vst.idx.add.f32.msk $0xffff, v2  }
0x80: {  	[tilespmem:v9+s11+$0x0] =	vst.idx.add.f32.msk $0xffff, v2  }
0x81: {  	[tilespmem:s2], [sflag:$0x1] =	stream.linear.gather [hbm4b:s5+s2], $0x4000, $0x38;
	[tilespmem:$0x19000] =	vst v63  }
0x82: {  	_ =	swait.ge [sflag:s12], $0x4000  }
0x83: {  	[sflag:s12] =	ssyncset.done $0x0  }
0x84: {  	s18 =	simm.s32 $0x4080;
	[sflag:s12] =	ssyncadd.s32 $0xFFFFC000  }
0x85: {  	v3 =	vld [tilespmem:s18+$0xFFFFFFE0]  }
0x86: {  	v4 =	vld [tilespmem:s18+$0xFFFFFFF0]  }
0x87: {  	v5 =	vld [tilespmem:s18+$0x40]  }
0x88: {  	v6 =	vld [tilespmem:s18+$0x20]  }
0x89: {  	v7 =	vld [tilespmem:s18+$0x10]  }
0x8a: {  	v8 =	vld [tilespmem:s18+$0x0]  }
0x8b: {  	v9 =	vld [tilespmem:s18+$0xFFFFFFD0]  }
0x8c: {  	v10 =	vld [tilespmem:s18+$0xFFFFFFC0]  }
0x8d: {  	v11 =	vld [tilespmem:s18+$0xFFFFFFB0]  }
0x8e: {  	v12 =	vld [tilespmem:s18+$0xFFFFFFA0]  }
0x8f: {  	v14 =	vld [tilespmem:s18+$0xFFFFFF90];
	_ =	sdelay $0x1  }
0x90: {  	v21 =	vshrl.u32 v3, $0x13;
	v7 =	vshrl.u32 v7, $0x13;
	v6 =	vshrl.u32 v6, $0x13  }
0x91: {  	v3 =	vshrl.u32 v4, $0x13;
	v13 =	vshrl.u32 v8, $0x13;
	v5 =	vshrl.u32 v5, $0x13  }
0x92: {  	v17 =	vshrl.u32 v9, $0x13;
	v10 =	vshrl.u32 v10, $0x13;
	v11 =	vshrl.u32 v11, $0x13  }
0x93: {  	v12 =	vshrl.u32 v12, $0x13;
	v19 =	vshrl.u32 v14, $0x13;
	v4 =	vadd.s32 v1, v3  }
0x94: {  	v8 =	vadd.s32 v1, v13;
	v16 =	vand.u32 $0x7F, v5;
	v23 =	vadd.s32 v1, v7  }
0x95: {  	v18 =	vadd.s32 v1, v17;
	v9 =	vand.u32 $0x7F, v13;
	v63 =	vadd.s32 v1, v10  }
0x96: {  	v5 =	vadd.s32 v1, v5;
	v15 =	vadd.s32 v1, v11;
	v13 =	vand.u32 $0x7F, v6  }
0x97: {  	v11 =	vand.u32 $0x7F, v11;
	v14 =	vadd.s32 v1, v19;
	v5 =	vand.u32 $0x1FF80, v5  }
0x98: {  	v10 =	vand.u32 $0x7F, v10;
	v20 =	vand.u32 $0x1FF80, v15;
	v15 =	vld [tilespmem:s18+$0x30];
	v25 =	vor.u32 v16, v5  }
0x99: {  	v8 =	vand.u32 $0x1FF80, v8;
	v5 =	vand.u32 $0x1FF80, v14;
	v26 =	vor.u32 v11, v20;
	v14 =	vld [tilespmem:s18+$0x50]  }
0x9a: {  	v11 =	vadd.s32 v1, v6;
	v20 =	vld [tilespmem:s18+$0xFFFFFF80];
	v6 =	vand.u32 $0x7F, v19;
	v16 =	vadd.s32 v1, v12  }
0x9b: {  	v23 =	vand.u32 $0x1FF80, v23;
	v6 =	vor.u32 v6, v5;
	v5 =	vand.u32 $0x1FF80, v16;
	v16 =	vld [tilespmem:s18+$0x70]  }
0x9c: {  	v12 =	vand.u32 $0x7F, v12;
	v22 =	vand.u32 $0x1FF80, v11;
	v11 =	vand.u32 $0x7F, v17;
	v17 =	vld [tilespmem:s18+$0x60]  }
0x9d: {  	v19 =	vand.u32 $0x7F, v7;
	v7 =	vand.u32 $0x1FF80, v63;
	v5 =	vor.u32 v12, v5;
	[tilespmem:v25+s11+$0x0] =	vst.idx.add.f32.msk $0xffff, v2  }
0x9e: {  	s19 =	simm.s32 $0x4180;
	s18 =	simm.s32 $0x0;
	v12 =	vand.u32 $0x1FF80, v18;
	v18 =	vand.u32 $0x7F, v21;
	v21 =	vadd.s32 v1, v21;
	[tilespmem:v26+s11+$0x0] =	vst.idx.add.f32.msk $0xffff, v2  }
.LBB2_6:
0x9f: {  	v24 =	vld [tilespmem:s19+$0xFFFFFFE0];
	s18 =	sadd.s32 $0x10, s18;
	v20 =	vshrl.u32 v20, $0x13;
	v21 =	vand.u32 $0x1FF80, v21;
	v13 =	vor.u32 v13, v22  }
0xa0: {  	v19 =	vor.u32 v19, v23;
	v22 =	vld [tilespmem:s19+$0xFFFFFF90];
	p0 =	slt.u32 s18, $0x3F0;
	v25 =	vadd.s32 v1, v20;
	v18 =	vor.u32 v18, v21  }
0xa1: {  	v15 =	vshrl.u32 v15, $0x13;
	v20 =	vand.u32 $0x7F, v20;
	v21 =	vld [tilespmem:s19+$0xFFFFFFA0];
	v23 =	vand.u32 $0x1FF80, v25  }
0xa2: {  	v17 =	vshrl.u32 v17, $0x13;
	v25 =	vld [tilespmem:s19+$0xFFFFFFB0];
	v20 =	vor.u32 v20, v23;
	v23 =	vadd.s32 v1, v15  }
0xa3: {  	v8 =	vor.u32 v9, v8;
	v9 =	vshrl.u32 v14, $0x13;
	v14 =	vadd.s32 v1, v17;
	v26 =	vld [tilespmem:s19+$0xFFFFFFF0]  }
0xa4: {  	v17 =	vand.u32 $0x7F, v17;
	v14 =	vand.u32 $0x1FF80, v14;
	[tilespmem:v13+s11+$0x0] =	vst.idx.add.f32.msk $0xffff, v2;
	v13 =	vand.u32 $0x1FF80, v23  }
0xa5: {  	v16 =	vshrl.u32 v16, $0x13;
	v14 =	vor.u32 v17, v14;
	[tilespmem:v19+s11+$0x0] =	vst.idx.add.f32.msk $0xffff, v2;
	v19 =	vadd.s32 v1, v9  }
0xa6: {  	v23 =	vadd.s32 v1, v16;
	v9 =	vand.u32 $0x7F, v9;
	v17 =	vld [tilespmem:s19+$0xFFFFFFC0];
	v19 =	vand.u32 $0x1FF80, v19  }
0xa7: {  	v11 =	vor.u32 v11, v12;
	v12 =	vand.u32 $0x1FF80, v23;
	v27 =	vld [tilespmem:s19+$0xFFFFFFD0];
	v9 =	vor.u32 v9, v19  }
0xa8: {  	v4 =	vand.u32 $0x1FF80, v4;
	v3 =	vand.u32 $0x7F, v3;
	v16 =	vand.u32 $0x7F, v16;
	v19 =	vld [tilespmem:s19+$0x40]  }
0xa9: {  	v3 =	vor.u32 v3, v4;
	v4 =	vand.u32 $0x7F, v15;
	[tilespmem:v8+s11+$0x0] =	vst.idx.add.f32.msk $0xffff, v2;
	v8 =	vor.u32 v16, v12  }
0xaa: {  	v4 =	vor.u32 v4, v13;
	v12 =	vld [tilespmem:s19+$0x20]  }
0xab: {  	v13 =	vld [tilespmem:s19+$0x10]  }
0xac: {  	v15 =	vld [tilespmem:s19+$0x0]  }
0xad: {  	[tilespmem:v9+s11+$0x0] =	vst.idx.add.f32.msk $0xffff, v2  }
0xae: {  	[tilespmem:v8+s11+$0x0] =	vst.idx.add.f32.msk $0xffff, v2  }
0xaf: {  	v23 =	vshrl.u32 v24, $0x13;
	[tilespmem:v4+s11+$0x0] =	vst.idx.add.f32.msk $0xffff, v2  }
0xb0: {  	v7 =	vor.u32 v10, v7;
	v12 =	vshrl.u32 v12, $0x13;
	v16 =	vshrl.u32 v13, $0x13;
	[tilespmem:v3+s11+$0x0] =	vst.idx.add.f32.msk $0xffff, v2  }
0xb1: {  	v10 =	vshrl.u32 v19, $0x13;
	v3 =	vshrl.u32 v26, $0x13;
	v9 =	vshrl.u32 v15, $0x13;
	[tilespmem:v20+s11+$0x0] =	vst.idx.add.f32.msk $0xffff, v2  }
0xb2: {  	v19 =	vand.u32 $0x7F, v10;
	v4 =	vadd.s32 v1, v3;
	v8 =	vadd.s32 v1, v9;
	[tilespmem:v6+s11+$0x0] =	vst.idx.add.f32.msk $0xffff, v2  }
0xb3: {  	v24 =	vshrl.u32 v27, $0x13;
	v26 =	vadd.s32 v1, v16;
	v8 =	vand.u32 $0x1FF80, v8;
	[tilespmem:v14+s11+$0x0] =	vst.idx.add.f32.msk $0xffff, v2  }
0xb4: {  	v27 =	vshrl.u32 v17, $0x13;
	v28 =	vadd.s32 v1, v24;
	v9 =	vand.u32 $0x7F, v9;
	[tilespmem:v11+s11+$0x0] =	vst.idx.add.f32.msk $0xffff, v2  }
0xb5: {  	v10 =	vadd.s32 v1, v10;
	v6 =	vshrl.u32 v25, $0x13;
	v11 =	vadd.s32 v1, v27;
	[tilespmem:v18+s11+$0x0] =	vst.idx.add.f32.msk $0xffff, v2  }
0xb6: {  	v17 =	vshrl.u32 v21, $0x13;
	v13 =	vand.u32 $0x7F, v12;
	v14 =	vadd.s32 v1, v6;
	[tilespmem:v7+s11+$0x0] =	vst.idx.add.f32.msk $0xffff, v2  }
0xb7: {  	v10 =	vand.u32 $0x1FF80, v10;
	v6 =	vand.u32 $0x7F, v6;
	v7 =	vshrl.u32 v22, $0x13;
	[tilespmem:v5+s11+$0x0] =	vst.idx.add.f32.msk $0xffff, v2  }
0xb8: {  	v10 =	vor.u32 v19, v10;
	v14 =	vand.u32 $0x1FF80, v14;
	v5 =	vadd.s32 v1, v7;
	v15 =	vld [tilespmem:s19+$0x30]  }
0xb9: {  	v12 =	vadd.s32 v1, v12;
	v21 =	vor.u32 v6, v14;
	v5 =	vand.u32 $0x1FF80, v5;
	v14 =	vld [tilespmem:s19+$0x50]  }
.Ltmp2:
0xba: {  	v19 =	vand.u32 $0x7F, v16;
	v6 =	vand.u32 $0x7F, v7;
	v7 =	vadd.s32 v1, v17;
	v20 =	vld [tilespmem:s19+$0xFFFFFF80];
	(pc) =	sbr.rel @p0 .LBB2_6-.Ltmp2, $4  }
0xbb: {  	v22 =	vand.u32 $0x1FF80, v12;
	v6 =	vor.u32 v6, v5;
	v5 =	vand.u32 $0x1FF80, v7;
	v16 =	vld [tilespmem:s19+$0x70]  }
0xbc: {  	v12 =	vand.u32 $0x7F, v17;
	v7 =	vand.u32 $0x1FF80, v11;
	v11 =	vand.u32 $0x7F, v24;
	v17 =	vld [tilespmem:s19+$0x60]  }
0xbd: {  	v18 =	vand.u32 $0x7F, v23;
	v5 =	vor.u32 v12, v5;
	v12 =	vand.u32 $0x1FF80, v28;
	[tilespmem:v10+s11+$0x0] =	vst.idx.add.f32.msk $0xffff, v2  }
0xbe: {  	s19 =	sadd.s32 $0x100, s19;
	v10 =	vand.u32 $0x7F, v27;
	[tilespmem:v21+s11+$0x0] =	vst.idx.add.f32.msk $0xffff, v2;
	v21 =	vadd.s32 v1, v23;
	v23 =	vand.u32 $0x1FF80, v26  }
0xbf: {  	v20 =	vshrl.u32 v20, $0x13;
	v13 =	vor.u32 v13, v22;
	v19 =	vor.u32 v19, v23  }
0xc0: {  	v15 =	vshrl.u32 v15, $0x13;
	v14 =	vshrl.u32 v14, $0x13;
	v8 =	vor.u32 v9, v8  }
0xc1: {  	v4 =	vand.u32 $0x1FF80, v4;
	v3 =	vand.u32 $0x7F, v3;
	v11 =	vor.u32 v11, v12  }
0xc2: {  	v22 =	vadd.s32 v1, v20;
	v23 =	vadd.s32 v1, v15;
	v9 =	vadd.s32 v1, v14  }
0xc3: {  	[tilespmem:v6+s11+$0x0] =	vst.idx.add.f32.msk $0xffff, v2;
	v16 =	vshrl.u32 v16, $0x13;
	v14 =	vand.u32 $0x7F, v14;
	v15 =	vand.u32 $0x7F, v15  }
0xc4: {  	[tilespmem:v5+s11+$0x0] =	vst.idx.add.f32.msk $0xffff, v2;
	v3 =	vor.u32 v3, v4;
	v9 =	vand.u32 $0x1FF80, v9;
	v24 =	vadd.s32 v1, v16  }
0xc5: {  	v16 =	vand.u32 $0x7F, v16;
	v9 =	vor.u32 v14, v9;
	v14 =	vand.u32 $0x1FF80, v24;
	[tilespmem:v13+s11+$0x0] =	vst.idx.add.f32.msk $0xffff, v2  }
0xc6: {  	v22 =	vand.u32 $0x1FF80, v22;
	v23 =	vand.u32 $0x1FF80, v23;
	v14 =	vor.u32 v16, v14;
	[tilespmem:v19+s11+$0x0] =	vst.idx.add.f32.msk $0xffff, v2  }
0xc7: {  	v16 =	vshrl.u32 v17, $0x13;
	v13 =	vor.u32 v15, v23;
	v15 =	vand.u32 $0x7F, v20;
	[tilespmem:v8+s11+$0x0] =	vst.idx.add.f32.msk $0xffff, v2  }
0xc8: {  	[tilespmem:v11+s11+$0x0] =	vst.idx.add.f32.msk $0xffff, v2;
	v4 =	vor.u32 v15, v22;
	v15 =	vadd.s32 v1, v16  }
0xc9: {  	[tilespmem:v3+s11+$0x0] =	vst.idx.add.f32.msk $0xffff, v2;
	v3 =	vor.u32 v10, v7;
	v8 =	vand.u32 $0x1FF80, v15;
	v15 =	vand.u32 $0x7F, v16  }
0xca: {  	[tilespmem:v9+s11+$0x0] =	vst.idx.add.f32.msk $0xffff, v2;
	v8 =	vor.u32 v15, v8;
	v9 =	vand.u32 $0x1FF80, v21  }
0xcb: {  	[tilespmem:v14+s11+$0x0] =	vst.idx.add.f32.msk $0xffff, v2;
	v9 =	vor.u32 v18, v9  }
0xcc: {  	[tilespmem:v13+s11+$0x0] =	vst.idx.add.f32.msk $0xffff, v2  }
0xcd: {  	[tilespmem:v4+s11+$0x0] =	vst.idx.add.f32.msk $0xffff, v2  }
0xce: {  	[tilespmem:v3+s11+$0x0] =	vst.idx.add.f32.msk $0xffff, v2  }
0xcf: {  	[tilespmem:v8+s11+$0x0] =	vst.idx.add.f32.msk $0xffff, v2  }
0xd0: {  	[tilespmem:v9+s11+$0x0] =	vst.idx.add.f32.msk $0xffff, v2  }
0xd1: {  	[tilespmem:s9], [sflag:$0x2] =	stream.linear.gather [hbm4b:s6+s2], $0x4000, $0x38;
	[tilespmem:$0x19000] =	vst v63  }
0xd2: {  	_ =	swait.ge [sflag:s10], $0x4000  }
0xd3: {  	[sflag:s10] =	ssyncset.done $0x0  }
0xd4: {  	s18 =	simm.s32 $0x80;
	[sflag:s10] =	ssyncadd.s32 $0xFFFFC000  }
0xd5: {  	v3 =	vld [tilespmem:s18+$0xFFFFFFE0]  }
0xd6: {  	v4 =	vld [tilespmem:s18+$0xFFFFFFF0]  }
0xd7: {  	v5 =	vld [tilespmem:s18+$0x40]  }
0xd8: {  	v6 =	vld [tilespmem:s18+$0x20]  }
0xd9: {  	v7 =	vld [tilespmem:s18+$0x10]  }
0xda: {  	v8 =	vld [tilespmem:s18+$0x0]  }
0xdb: {  	v9 =	vld [tilespmem:s18+$0xFFFFFFD0]  }
0xdc: {  	v10 =	vld [tilespmem:s18+$0xFFFFFFC0]  }
0xdd: {  	v11 =	vld [tilespmem:s18+$0xFFFFFFB0]  }
0xde: {  	v12 =	vld [tilespmem:s18+$0xFFFFFFA0]  }
0xdf: {  	v14 =	vld [tilespmem:s18+$0xFFFFFF90];
	_ =	sdelay $0x1  }
0xe0: {  	v21 =	vshrl.u32 v3, $0x13;
	v7 =	vshrl.u32 v7, $0x13;
	v6 =	vshrl.u32 v6, $0x13  }
0xe1: {  	v3 =	vshrl.u32 v4, $0x13;
	v13 =	vshrl.u32 v8, $0x13;
	v5 =	vshrl.u32 v5, $0x13  }
0xe2: {  	v17 =	vshrl.u32 v9, $0x13;
	v10 =	vshrl.u32 v10, $0x13;
	v11 =	vshrl.u32 v11, $0x13  }
0xe3: {  	v12 =	vshrl.u32 v12, $0x13;
	v19 =	vshrl.u32 v14, $0x13;
	v4 =	vadd.s32 v1, v3  }
0xe4: {  	v8 =	vadd.s32 v1, v13;
	v15 =	vand.u32 $0x7F, v5;
	v23 =	vadd.s32 v1, v7  }
0xe5: {  	v18 =	vadd.s32 v1, v17;
	v9 =	vand.u32 $0x7F, v13;
	v63 =	vadd.s32 v1, v10  }
0xe6: {  	v5 =	vadd.s32 v1, v5;
	v16 =	vadd.s32 v1, v11;
	v13 =	vand.u32 $0x7F, v6  }
0xe7: {  	v11 =	vand.u32 $0x7F, v11;
	v20 =	vadd.s32 v1, v19;
	v5 =	vand.u32 $0x1FF80, v5  }
0xe8: {  	v14 =	vld [tilespmem:s18+$0x30];
	v10 =	vand.u32 $0x7F, v10;
	v16 =	vand.u32 $0x1FF80, v16;
	v25 =	vor.u32 v15, v5  }
0xe9: {  	v8 =	vand.u32 $0x1FF80, v8;
	v5 =	vand.u32 $0x1FF80, v20;
	v26 =	vor.u32 v11, v16;
	v15 =	vld [tilespmem:s18+$0x50]  }
0xea: {  	v11 =	vadd.s32 v1, v6;
	v20 =	vld [tilespmem:s18+$0xFFFFFF80];
	v6 =	vand.u32 $0x7F, v19;
	v16 =	vadd.s32 v1, v12  }
0xeb: {  	v23 =	vand.u32 $0x1FF80, v23;
	v6 =	vor.u32 v6, v5;
	v5 =	vand.u32 $0x1FF80, v16;
	v16 =	vld [tilespmem:s18+$0x70]  }
0xec: {  	v12 =	vand.u32 $0x7F, v12;
	v22 =	vand.u32 $0x1FF80, v11;
	v11 =	vand.u32 $0x7F, v17;
	v17 =	vld [tilespmem:s18+$0x60]  }
0xed: {  	v19 =	vand.u32 $0x7F, v7;
	v7 =	vand.u32 $0x1FF80, v63;
	v5 =	vor.u32 v12, v5;
	[tilespmem:v25+s11+$0x0] =	vst.idx.add.f32.msk $0xffff, v2  }
0xee: {  	s19 =	simm.s32 $0x180;
	s18 =	simm.s32 $0x0;
	v12 =	vand.u32 $0x1FF80, v18;
	v18 =	vand.u32 $0x7F, v21;
	v21 =	vadd.s32 v1, v21;
	[tilespmem:v26+s11+$0x0] =	vst.idx.add.f32.msk $0xffff, v2  }
.LBB2_8:
0xef: {  	v24 =	vld [tilespmem:s19+$0xFFFFFFE0];
	s18 =	sadd.s32 $0x10, s18;
	v20 =	vshrl.u32 v20, $0x13;
	v21 =	vand.u32 $0x1FF80, v21;
	v13 =	vor.u32 v13, v22  }
0xf0: {  	v19 =	vor.u32 v19, v23;
	v22 =	vld [tilespmem:s19+$0xFFFFFF90];
	p0 =	slt.u32 s18, $0x3F0;
	v25 =	vadd.s32 v1, v20;
	v18 =	vor.u32 v18, v21  }
0xf1: {  	v14 =	vshrl.u32 v14, $0x13;
	v20 =	vand.u32 $0x7F, v20;
	v21 =	vld [tilespmem:s19+$0xFFFFFFA0];
	v23 =	vand.u32 $0x1FF80, v25  }
0xf2: {  	v17 =	vshrl.u32 v17, $0x13;
	v25 =	vld [tilespmem:s19+$0xFFFFFFB0];
	v20 =	vor.u32 v20, v23;
	v23 =	vadd.s32 v1, v14  }
0xf3: {  	v8 =	vor.u32 v9, v8;
	v9 =	vshrl.u32 v15, $0x13;
	v15 =	vadd.s32 v1, v17;
	v26 =	vld [tilespmem:s19+$0xFFFFFFF0]  }
0xf4: {  	v17 =	vand.u32 $0x7F, v17;
	v15 =	vand.u32 $0x1FF80, v15;
	[tilespmem:v13+s11+$0x0] =	vst.idx.add.f32.msk $0xffff, v2;
	v13 =	vand.u32 $0x1FF80, v23  }
0xf5: {  	v16 =	vshrl.u32 v16, $0x13;
	v15 =	vor.u32 v17, v15;
	[tilespmem:v19+s11+$0x0] =	vst.idx.add.f32.msk $0xffff, v2;
	v19 =	vadd.s32 v1, v9  }
0xf6: {  	v23 =	vadd.s32 v1, v16;
	v9 =	vand.u32 $0x7F, v9;
	v17 =	vld [tilespmem:s19+$0xFFFFFFC0];
	v19 =	vand.u32 $0x1FF80, v19  }
0xf7: {  	v11 =	vor.u32 v11, v12;
	v12 =	vand.u32 $0x1FF80, v23;
	v27 =	vld [tilespmem:s19+$0xFFFFFFD0];
	v9 =	vor.u32 v9, v19  }
0xf8: {  	v4 =	vand.u32 $0x1FF80, v4;
	v3 =	vand.u32 $0x7F, v3;
	v16 =	vand.u32 $0x7F, v16;
	v19 =	vld [tilespmem:s19+$0x40]  }
0xf9: {  	v3 =	vor.u32 v3, v4;
	v4 =	vand.u32 $0x7F, v14;
	[tilespmem:v8+s11+$0x0] =	vst.idx.add.f32.msk $0xffff, v2;
	v8 =	vor.u32 v16, v12  }
0xfa: {  	v4 =	vor.u32 v4, v13;
	v12 =	vld [tilespmem:s19+$0x20]  }
0xfb: {  	v13 =	vld [tilespmem:s19+$0x10]  }
0xfc: {  	v14 =	vld [tilespmem:s19+$0x0]  }
0xfd: {  	[tilespmem:v9+s11+$0x0] =	vst.idx.add.f32.msk $0xffff, v2  }
0xfe: {  	[tilespmem:v8+s11+$0x0] =	vst.idx.add.f32.msk $0xffff, v2  }
0xff: {  	v23 =	vshrl.u32 v24, $0x13;
	[tilespmem:v4+s11+$0x0] =	vst.idx.add.f32.msk $0xffff, v2  }
0x100: {  	v7 =	vor.u32 v10, v7;
	v12 =	vshrl.u32 v12, $0x13;
	v16 =	vshrl.u32 v13, $0x13;
	[tilespmem:v3+s11+$0x0] =	vst.idx.add.f32.msk $0xffff, v2  }
0x101: {  	v10 =	vshrl.u32 v19, $0x13;
	v3 =	vshrl.u32 v26, $0x13;
	v9 =	vshrl.u32 v14, $0x13;
	[tilespmem:v20+s11+$0x0] =	vst.idx.add.f32.msk $0xffff, v2  }
0x102: {  	v19 =	vand.u32 $0x7F, v10;
	v4 =	vadd.s32 v1, v3;
	v8 =	vadd.s32 v1, v9;
	[tilespmem:v6+s11+$0x0] =	vst.idx.add.f32.msk $0xffff, v2  }
0x103: {  	v24 =	vshrl.u32 v27, $0x13;
	v26 =	vadd.s32 v1, v16;
	v8 =	vand.u32 $0x1FF80, v8;
	[tilespmem:v15+s11+$0x0] =	vst.idx.add.f32.msk $0xffff, v2  }
0x104: {  	v27 =	vshrl.u32 v17, $0x13;
	v28 =	vadd.s32 v1, v24;
	v9 =	vand.u32 $0x7F, v9;
	[tilespmem:v11+s11+$0x0] =	vst.idx.add.f32.msk $0xffff, v2  }
0x105: {  	v10 =	vadd.s32 v1, v10;
	v6 =	vshrl.u32 v25, $0x13;
	v11 =	vadd.s32 v1, v27;
	[tilespmem:v18+s11+$0x0] =	vst.idx.add.f32.msk $0xffff, v2  }
0x106: {  	v17 =	vshrl.u32 v21, $0x13;
	v13 =	vand.u32 $0x7F, v12;
	v14 =	vadd.s32 v1, v6;
	[tilespmem:v7+s11+$0x0] =	vst.idx.add.f32.msk $0xffff, v2  }
0x107: {  	v10 =	vand.u32 $0x1FF80, v10;
	v6 =	vand.u32 $0x7F, v6;
	v7 =	vshrl.u32 v22, $0x13;
	[tilespmem:v5+s11+$0x0] =	vst.idx.add.f32.msk $0xffff, v2  }
0x108: {  	v10 =	vor.u32 v19, v10;
	v15 =	vand.u32 $0x1FF80, v14;
	v5 =	vadd.s32 v1, v7;
	v14 =	vld [tilespmem:s19+$0x30]  }
0x109: {  	v12 =	vadd.s32 v1, v12;
	v21 =	vor.u32 v6, v15;
	v5 =	vand.u32 $0x1FF80, v5;
	v15 =	vld [tilespmem:s19+$0x50]  }
.Ltmp3:
0x10a: {  	v19 =	vand.u32 $0x7F, v16;
	v6 =	vand.u32 $0x7F, v7;
	v7 =	vadd.s32 v1, v17;
	v20 =	vld [tilespmem:s19+$0xFFFFFF80];
	(pc) =	sbr.rel @p0 .LBB2_8-.Ltmp3, $4  }
0x10b: {  	v22 =	vand.u32 $0x1FF80, v12;
	v6 =	vor.u32 v6, v5;
	v5 =	vand.u32 $0x1FF80, v7;
	v16 =	vld [tilespmem:s19+$0x70]  }
0x10c: {  	v12 =	vand.u32 $0x7F, v17;
	v7 =	vand.u32 $0x1FF80, v11;
	v11 =	vand.u32 $0x7F, v24;
	v17 =	vld [tilespmem:s19+$0x60]  }
0x10d: {  	v18 =	vand.u32 $0x7F, v23;
	v5 =	vor.u32 v12, v5;
	v12 =	vand.u32 $0x1FF80, v28;
	[tilespmem:v10+s11+$0x0] =	vst.idx.add.f32.msk $0xffff, v2  }
0x10e: {  	s19 =	sadd.s32 $0x100, s19;
	v10 =	vand.u32 $0x7F, v27;
	[tilespmem:v21+s11+$0x0] =	vst.idx.add.f32.msk $0xffff, v2;
	v21 =	vadd.s32 v1, v23;
	v23 =	vand.u32 $0x1FF80, v26  }
0x10f: {  	v20 =	vshrl.u32 v20, $0x13  }
0x110: {  	v13 =	vor.u32 v13, v22;
	v19 =	vor.u32 v19, v23;
	v15 =	vshrl.u32 v15, $0x13  }
0x111: {  	v14 =	vshrl.u32 v14, $0x13;
	v8 =	vor.u32 v9, v8;
	v4 =	vand.u32 $0x1FF80, v4  }
0x112: {  	v3 =	vand.u32 $0x7F, v3;
	v11 =	vor.u32 v11, v12;
	v22 =	vadd.s32 v1, v20  }
0x113: {  	v23 =	vadd.s32 v1, v15;
	v16 =	vshrl.u32 v16, $0x13;
	v15 =	vand.u32 $0x7F, v15  }
0x114: {  	[tilespmem:v6+s11+$0x0] =	vst.idx.add.f32.msk $0xffff, v2;
	v3 =	vor.u32 v3, v4;
	v23 =	vand.u32 $0x1FF80, v23;
	v9 =	vadd.s32 v1, v16  }
0x115: {  	[tilespmem:v5+s11+$0x0] =	vst.idx.add.f32.msk $0xffff, v2;
	v16 =	vand.u32 $0x7F, v16;
	v15 =	vor.u32 v15, v23;
	v9 =	vand.u32 $0x1FF80, v9  }
0x116: {  	v23 =	vadd.s32 v1, v14;
	v9 =	vor.u32 v16, v9;
	[tilespmem:v13+s11+$0x0] =	vst.idx.add.f32.msk $0xffff, v2  }
0x117: {  	v22 =	vand.u32 $0x1FF80, v22;
	v14 =	vand.u32 $0x7F, v14;
	v23 =	vand.u32 $0x1FF80, v23;
	[tilespmem:v19+s11+$0x0] =	vst.idx.add.f32.msk $0xffff, v2  }
0x118: {  	v16 =	vshrl.u32 v17, $0x13;
	v13 =	vor.u32 v14, v23;
	v14 =	vand.u32 $0x7F, v20;
	[tilespmem:v8+s11+$0x0] =	vst.idx.add.f32.msk $0xffff, v2  }
0x119: {  	[tilespmem:v11+s11+$0x0] =	vst.idx.add.f32.msk $0xffff, v2;
	v4 =	vor.u32 v14, v22;
	v14 =	vadd.s32 v1, v16  }
0x11a: {  	[tilespmem:v3+s11+$0x0] =	vst.idx.add.f32.msk $0xffff, v2;
	v3 =	vor.u32 v10, v7;
	v8 =	vand.u32 $0x1FF80, v14;
	v14 =	vand.u32 $0x7F, v16  }
0x11b: {  	v8 =	vor.u32 v14, v8;
	[tilespmem:v9+s11+$0x0] =	vst.idx.add.f32.msk $0xffff, v2;
	v9 =	vand.u32 $0x1FF80, v21  }
0x11c: {  	[tilespmem:v15+s11+$0x0] =	vst.idx.add.f32.msk $0xffff, v2;
	v9 =	vor.u32 v18, v9  }
0x11d: {  	[tilespmem:v13+s11+$0x0] =	vst.idx.add.f32.msk $0xffff, v2  }
0x11e: {  	[tilespmem:v4+s11+$0x0] =	vst.idx.add.f32.msk $0xffff, v2  }
0x11f: {  	[tilespmem:v3+s11+$0x0] =	vst.idx.add.f32.msk $0xffff, v2  }
0x120: {  	[tilespmem:v8+s11+$0x0] =	vst.idx.add.f32.msk $0xffff, v2  }
0x121: {  	[tilespmem:v9+s11+$0x0] =	vst.idx.add.f32.msk $0xffff, v2  }
0x122: {  	_ =	swait.ge [sflag:s12], $0x4000  }
0x123: {  	[sflag:s12] =	ssyncset.done $0x0  }
0x124: {  	s19 =	simm.s32 $0x4080;
	[sflag:s12] =	ssyncadd.s32 $0xFFFFC000  }
0x125: {  	v3 =	vld [tilespmem:s19+$0x60]  }
0x126: {  	v4 =	vld [tilespmem:s19+$0xFFFFFF80]  }
0x127: {  	v5 =	vld [tilespmem:s19+$0x0]  }
0x128: {  	v6 =	vld [tilespmem:s19+$0xFFFFFFE0]  }
0x129: {  	v8 =	vld [tilespmem:s19+$0x20]  }
0x12a: {  	v9 =	vld [tilespmem:s19+$0xFFFFFFD0]  }
0x12b: {  	v13 =	vld [tilespmem:s19+$0xFFFFFFB0]  }
0x12c: {  	v12 =	vld [tilespmem:s19+$0x30];
	_ =	sdelay $0x2  }
0x12d: {  	v3 =	vshrl.u32 v3, $0x13;
	v4 =	vshrl.u32 v4, $0x13  }
0x12e: {  	v15 =	vshrl.u32 v5, $0x13;
	v8 =	vshrl.u32 v8, $0x13;
	v6 =	vshrl.u32 v6, $0x13  }
0x12f: {  	v7 =	vld [tilespmem:s19+$0xFFFFFFF0];
	v20 =	vshrl.u32 v9, $0x13;
	v16 =	vshrl.u32 v12, $0x13;
	v17 =	vshrl.u32 v13, $0x13  }
0x130: {  	v14 =	vld [tilespmem:s19+$0xFFFFFFA0];
	v10 =	vadd.s32 v1, v3;
	v11 =	vadd.s32 v1, v4;
	v3 =	vand.u32 $0x7F, v3  }
0x131: {  	v4 =	vand.u32 $0x7F, v4;
	v9 =	vadd.s32 v1, v6;
	v12 =	vand.u32 $0x7F, v6  }
0x132: {  	v5 =	vld [tilespmem:s19+$0xFFFFFF90];
	v6 =	vand.u32 $0x7F, v8;
	v21 =	vand.u32 $0x7F, v16;
	v19 =	vadd.s32 v1, v15  }
0x133: {  	v10 =	vand.u32 $0x1FF80, v10;
	v11 =	vand.u32 $0x1FF80, v11;
	v9 =	vand.u32 $0x1FF80, v9  }
0x134: {  	v10 =	vor.u32 v3, v10;
	v4 =	vor.u32 v4, v11;
	v3 =	vshrl.u32 v7, $0x13  }
0x135: {  	v7 =	vadd.s32 v1, v8;
	v11 =	vadd.s32 v1, v20;
	v8 =	vshrl.u32 v14, $0x13  }
0x136: {  	v7 =	vand.u32 $0x1FF80, v7;
	v11 =	vand.u32 $0x1FF80, v11;
	v14 =	vand.u32 $0x7F, v8  }
0x137: {  	v22 =	vld [tilespmem:s19+$0xFFFFFFC0];
	v5 =	vshrl.u32 v5, $0x13;
	v13 =	vor.u32 v6, v7;
	v7 =	vadd.s32 v1, v8  }
0x138: {  	v18 =	vld [tilespmem:s19+$0x70];
	v6 =	vadd.s32 v1, v5;
	v8 =	vand.u32 $0x7F, v5;
	v5 =	vand.u32 $0x1FF80, v7  }
0x139: {  	v7 =	vadd.s32 v1, v16;
	v16 =	vand.u32 $0x7F, v15;
	v5 =	vor.u32 v14, v5;
	[tilespmem:v10+s11+$0x0] =	vst.idx.add.f32.msk $0xffff, v2  }
0x13a: {  	v7 =	vand.u32 $0x1FF80, v7;
	[tilespmem:v4+s11+$0x0] =	vst.idx.add.f32.msk $0xffff, v2;
	v4 =	vand.u32 $0x1FF80, v6;
	v10 =	vadd.s32 v1, v3  }
0x13b: {  	v15 =	vld [tilespmem:s19+$0x40];
	v6 =	vor.u32 v8, v4;
	v4 =	vadd.s32 v1, v17;
	v8 =	vand.u32 $0x7F, v17  }
0x13c: {  	v14 =	vld [tilespmem:s19+$0x50];
	v17 =	vor.u32 v21, v7;
	v7 =	vand.u32 $0x7F, v20;
	v4 =	vand.u32 $0x1FF80, v4  }
0x13d: {  	s18 =	simm.s32 $0x0;
	v10 =	vand.u32 $0x1FF80, v10;
	v20 =	vld [tilespmem:s19+$0x10];
	s19 =	simm.s32 $0x4180;
	v4 =	vor.u32 v8, v4;
	v8 =	vshrl.u32 v22, $0x13  }
.LBB2_10:
0x13e: {  	v21 =	vld [tilespmem:s19+$0x0];
	s18 =	sadd.s32 $0x10, s18;
	v11 =	vor.u32 v7, v11;
	v19 =	vand.u32 $0x1FF80, v19  }
0x13f: {  	v7 =	vld [tilespmem:s19+$0xFFFFFFC0];
	p0 =	slt.u32 s18, $0x3F0;
	v16 =	vor.u32 v16, v19  }
0x140: {  	v9 =	vor.u32 v12, v9;
	[tilespmem:v13+s11+$0x0] =	vst.idx.add.f32.msk $0xffff, v2;
	v12 =	vshrl.u32 v18, $0x13  }
0x141: {  	v13 =	vshrl.u32 v14, $0x13;
	[tilespmem:v17+s11+$0x0] =	vst.idx.add.f32.msk $0xffff, v2;
	v14 =	vadd.s32 v1, v12;
	v12 =	vand.u32 $0x7F, v12  }
0x142: {  	v15 =	vshrl.u32 v15, $0x13;
	v19 =	vadd.s32 v1, v13;
	v17 =	vld [tilespmem:s19+$0xFFFFFF90];
	v18 =	vshrl.u32 v20, $0x13  }
0x143: {  	v23 =	vadd.s32 v1, v15;
	v19 =	vand.u32 $0x1FF80, v19;
	v20 =	vld [tilespmem:s19+$0xFFFFFFB0];
	v22 =	vand.u32 $0x7F, v18  }
0x144: {  	v13 =	vand.u32 $0x7F, v13;
	v15 =	vand.u32 $0x7F, v15;
	v23 =	vand.u32 $0x1FF80, v23;
	v24 =	vld [tilespmem:s19+$0x60]  }
0x145: {  	v18 =	vadd.s32 v1, v18;
	v13 =	vor.u32 v13, v19;
	v15 =	vor.u32 v15, v23;
	v25 =	vld [tilespmem:s19+$0xFFFFFF80]  }
0x146: {  	v14 =	vand.u32 $0x1FF80, v14;
	v18 =	vand.u32 $0x1FF80, v18;
	v19 =	vld [tilespmem:s19+$0xFFFFFFA0]  }
0x147: {  	v12 =	vor.u32 v12, v14;
	v18 =	vor.u32 v22, v18;
	v23 =	vld [tilespmem:s19+$0xFFFFFFD0]  }
0x148: {  	v14 =	vld [tilespmem:s19+$0xFFFFFFE0]  }
0x149: {  	v22 =	vld [tilespmem:s19+$0xFFFFFFF0];
	v24 =	vshrl.u32 v24, $0x13  }
0x14a: {  	v3 =	vand.u32 $0x7F, v3;
	v25 =	vshrl.u32 v25, $0x13;
	v26 =	vadd.s32 v1, v24;
	[tilespmem:v16+s11+$0x0] =	vst.idx.add.f32.msk $0xffff, v2  }
0x14b: {  	v24 =	vand.u32 $0x7F, v24;
	v16 =	vadd.s32 v1, v25;
	v27 =	vld [tilespmem:s19+$0x20];
	v26 =	vand.u32 $0x1FF80, v26  }
0x14c: {  	v10 =	vor.u32 v3, v10;
	v16 =	vand.u32 $0x1FF80, v16;
	v28 =	vld [tilespmem:s19+$0x30];
	v24 =	vor.u32 v24, v26  }
0x14d: {  	v3 =	vadd.s32 v1, v8;
	[tilespmem:v9+s11+$0x0] =	vst.idx.add.f32.msk $0xffff, v2  }
0x14e: {  	v8 =	vand.u32 $0x7F, v8;
	v3 =	vand.u32 $0x1FF80, v3;
	[tilespmem:v18+s11+$0x0] =	vst.idx.add.f32.msk $0xffff, v2  }
0x14f: {  	v8 =	vor.u32 v8, v3;
	v9 =	vand.u32 $0x7F, v25;
	[tilespmem:v11+s11+$0x0] =	vst.idx.add.f32.msk $0xffff, v2  }
0x150: {  	v16 =	vor.u32 v9, v16;
	v18 =	vshrl.u32 v21, $0x13;
	v21 =	vshrl.u32 v27, $0x13;
	[tilespmem:v12+s11+$0x0] =	vst.idx.add.f32.msk $0xffff, v2  }
0x151: {  	v3 =	vshrl.u32 v22, $0x13;
	v12 =	vshrl.u32 v14, $0x13;
	v9 =	vadd.s32 v1, v21;
	[tilespmem:v6+s11+$0x0] =	vst.idx.add.f32.msk $0xffff, v2  }
0x152: {  	v22 =	vshrl.u32 v23, $0x13;
	v6 =	vadd.s32 v1, v12;
	v14 =	vand.u32 $0x1FF80, v9;
	[tilespmem:v24+s11+$0x0] =	vst.idx.add.f32.msk $0xffff, v2  }
0x153: {  	v11 =	vadd.s32 v1, v22;
	v9 =	vand.u32 $0x1FF80, v6;
	v6 =	vshrl.u32 v28, $0x13;
	[tilespmem:v5+s11+$0x0] =	vst.idx.add.f32.msk $0xffff, v2  }
0x154: {  	v11 =	vand.u32 $0x1FF80, v11;
	v12 =	vand.u32 $0x7F, v12;
	v5 =	vand.u32 $0x7F, v21;
	[tilespmem:v13+s11+$0x0] =	vst.idx.add.f32.msk $0xffff, v2  }
0x155: {  	[tilespmem:v16+s11+$0x0] =	vst.idx.add.f32.msk $0xffff, v2;
	v16 =	vshrl.u32 v19, $0x13;
	v19 =	vshrl.u32 v20, $0x13;
	v20 =	vand.u32 $0x7F, v6  }
0x156: {  	v17 =	vshrl.u32 v17, $0x13;
	v13 =	vor.u32 v5, v14;
	v21 =	vand.u32 $0x7F, v16;
	[tilespmem:v15+s11+$0x0] =	vst.idx.add.f32.msk $0xffff, v2  }
0x157: {  	v5 =	vadd.s32 v1, v17;
	v14 =	vadd.s32 v1, v16;
	[tilespmem:v10+s11+$0x0] =	vst.idx.add.f32.msk $0xffff, v2  }
0x158: {  	v6 =	vadd.s32 v1, v6;
	v10 =	vand.u32 $0x7F, v17;
	v14 =	vand.u32 $0x1FF80, v14;
	[tilespmem:v8+s11+$0x0] =	vst.idx.add.f32.msk $0xffff, v2  }
.Ltmp4:
0x159: {  	v15 =	vand.u32 $0x1FF80, v6;
	v8 =	vand.u32 $0x1FF80, v5;
	v5 =	vor.u32 v21, v14;
	[tilespmem:v4+s11+$0x0] =	vst.idx.add.f32.msk $0xffff, v2;
	(pc) =	sbr.rel @p0 .LBB2_10-.Ltmp4, $4  }
0x15a: {  	v16 =	vand.u32 $0x7F, v18;
	v6 =	vor.u32 v10, v8;
	v4 =	vadd.s32 v1, v19;
	v14 =	vld [tilespmem:s19+$0x50]  }
0x15b: {  	v8 =	vand.u32 $0x7F, v19;
	v19 =	vadd.s32 v1, v18;
	v4 =	vand.u32 $0x1FF80, v4;
	v18 =	vld [tilespmem:s19+$0x70]  }
0x15c: {  	v17 =	vor.u32 v20, v15;
	v10 =	vadd.s32 v1, v3;
	v4 =	vor.u32 v8, v4;
	v15 =	vld [tilespmem:s19+$0x40]  }
0x15d: {  	v10 =	vand.u32 $0x1FF80, v10;
	v8 =	vshrl.u32 v7, $0x13;
	v7 =	vand.u32 $0x7F, v22;
	v20 =	vld [tilespmem:s19+$0x10];
	s19 =	sadd.s32 $0x100, s19  }
0x15e: {  	_ =	sdelay $0x1  }
0x15f: {  	v19 =	vand.u32 $0x1FF80, v19;
	v9 =	vor.u32 v12, v9  }
0x160: {  	v7 =	vor.u32 v7, v11;
	v3 =	vand.u32 $0x7F, v3;
	v60 =	vadd.s32 v1, v8  }
0x161: {  	[tilespmem:v13+s11+$0x0] =	vst.idx.add.f32.msk $0xffff, v2;
	v8 =	vand.u32 $0x7F, v8;
	v16 =	vor.u32 v16, v19;
	v14 =	vshrl.u32 v14, $0x13  }
0x162: {  	[tilespmem:v17+s11+$0x0] =	vst.idx.add.f32.msk $0xffff, v2;
	v3 =	vor.u32 v3, v10;
	v18 =	vshrl.u32 v18, $0x13;
	v58 =	vadd.s32 v1, v14  }
0x163: {  	[tilespmem:v6+s11+$0x0] =	vst.idx.add.f32.msk $0xffff, v2;
	v14 =	vand.u32 $0x7F, v14;
	v55 =	vadd.s32 v1, v18;
	v11 =	vand.u32 $0x7F, v18  }
0x164: {  	[tilespmem:v5+s11+$0x0] =	vst.idx.add.f32.msk $0xffff, v2;
	v57 =	vshrl.u32 v15, $0x13;
	v15 =	vand.u32 $0x1FF80, v58;
	v20 =	vshrl.u32 v20, $0x13  }
0x165: {  	[tilespmem:v4+s11+$0x0] =	vst.idx.add.f32.msk $0xffff, v2;
	v56 =	vand.u32 $0x1FF80, v55;
	v59 =	vadd.s32 v1, v57;
	v14 =	vor.u32 v14, v15  }
0x166: {  	v13 =	vand.u32 $0x7F, v57;
	v11 =	vor.u32 v11, v56;
	[tilespmem:v9+s11+$0x0] =	vst.idx.add.f32.msk $0xffff, v2;
	v9 =	vand.u32 $0x1FF80, v59  }
0x167: {  	v53 =	vadd.s32 v1, v20;
	[tilespmem:v7+s11+$0x0] =	vst.idx.add.f32.msk $0xffff, v2;
	v7 =	vand.u32 $0x1FF80, v60;
	v9 =	vor.u32 v13, v9  }
0x168: {  	v54 =	vand.u32 $0x7F, v20;
	v12 =	vand.u32 $0x1FF80, v53;
	[tilespmem:v16+s11+$0x0] =	vst.idx.add.f32.msk $0xffff, v2;
	v7 =	vor.u32 v8, v7  }
0x169: {  	[tilespmem:v3+s11+$0x0] =	vst.idx.add.f32.msk $0xffff, v2;
	v12 =	vor.u32 v54, v12  }
0x16a: {  	[tilespmem:v14+s11+$0x0] =	vst.idx.add.f32.msk $0xffff, v2  }
0x16b: {  	[tilespmem:v11+s11+$0x0] =	vst.idx.add.f32.msk $0xffff, v2  }
0x16c: {  	[tilespmem:v9+s11+$0x0] =	vst.idx.add.f32.msk $0xffff, v2  }
0x16d: {  	s18 =	simm.s32 $0x0;
	[tilespmem:v7+s11+$0x0] =	vst.idx.add.f32.msk $0xffff, v2  }
0x16e: {  	s20 =	sand.u32 $0xFC0, s18;
	[tilespmem:v12+s11+$0x0] =	vst.idx.add.f32.msk $0xffff, v2  }
0x16f: {  	v4 =	vld [tilespmem:s20+$0x17000]  }
0x170: {  	v3 =	vld [tilespmem:s20+$0x16000]  }
0x171: {  	v5 =	vld [tilespmem:s20+$0x15000]  }
0x172: {  	v6 =	vld [tilespmem:s20+$0x14000]  }
0x173: {  	v7 =	vld [tilespmem:s20+$0x13000]  }
0x174: {  	v8 =	vld [tilespmem:s20+$0x12000]  }
0x175: {  	v9 =	vld [tilespmem:s20+$0x11000]  }
0x176: {  	v10 =	vld [tilespmem:s20+$0x10000]  }
0x177: {  	v11 =	vld [tilespmem:s20+$0xF000]  }
0x178: {  	v61 =	vld [tilespmem:s20+$0xE000]  }
0x179: {  	v62 =	vld [tilespmem:s20+$0xD000]  }
0x17a: {  	v14 =	vld [tilespmem:s20+$0xC000]  }
0x17b: {  	v63 =	vld [tilespmem:s20+$0xB000]  }
0x17c: {  	v36 =	vld [tilespmem:s20+$0xA000]  }
0x17d: {  	s19 =	simm.s32 $0x0;
	v17 =	vld [tilespmem:s20+$0x9000]  }
0x17e: {  	v37 =	vld [tilespmem:s19+$0x8030]  }
0x17f: {  	v38 =	vld [tilespmem:s19+$0x9030]  }
0x180: {  	v39 =	vld [tilespmem:s19+$0x8000]  }
0x181: {  	v21 =	vld [tilespmem:s19+$0xA030]  }
0x182: {  	v22 =	vld [tilespmem:s19+$0x8010]  }
0x183: {  	v23 =	vld [tilespmem:s19+$0xB030]  }
0x184: {  	v24 =	vld [tilespmem:s19+$0x9010]  }
0x185: {  	v25 =	vld [tilespmem:s19+$0xC030]  }
0x186: {  	v26 =	vld [tilespmem:s19+$0x8020]  }
0x187: {  	v27 =	vld [tilespmem:s19+$0xD030]  }
0x188: {  	v28 =	vld [tilespmem:s19+$0x9020]  }
0x189: {  	v29 =	vld [tilespmem:s19+$0xE030]  }
0x18a: {  	v30 =	vld [tilespmem:s19+$0xA010]  }
0x18b: {  	v31 =	vld [tilespmem:s19+$0xF030]  }
0x18c: {  	v32 =	vld [tilespmem:s19+$0xA020]  }
0x18d: {  	v33 =	vld [tilespmem:s19+$0x10030];
	v18 =	vadd.f32 v38, v37  }
0x18e: {  	v40 =	vld [tilespmem:s19+$0xB010];
	v17 =	vadd.f32 v17, v39  }
0x18f: {  	v41 =	vld [tilespmem:s19+$0x11030];
	v18 =	vadd.f32 v21, v18  }
0x190: {  	v42 =	vld [tilespmem:s19+$0xB020];
	v16 =	vadd.f32 v36, v17  }
0x191: {  	v43 =	vld [tilespmem:s19+$0x12030];
	v18 =	vadd.f32 v23, v18  }
0x192: {  	v44 =	vld [tilespmem:s19+$0xC010];
	v15 =	vadd.f32 v63, v16  }
0x193: {  	v45 =	vld [tilespmem:s19+$0x13030];
	v18 =	vadd.f32 v25, v18  }
0x194: {  	v46 =	vld [tilespmem:s19+$0xC020];
	v14 =	vadd.f32 v14, v15  }
0x195: {  	v47 =	vld [tilespmem:s19+$0x14030];
	v18 =	vadd.f32 v27, v18  }
0x196: {  	v48 =	vld [tilespmem:s19+$0xD010];
	v22 =	vadd.f32 v24, v22;
	v13 =	vadd.f32 v62, v14  }
0x197: {  	v50 =	vld [tilespmem:s19+$0x15030];
	v49 =	vadd.f32 v28, v26;
	v18 =	vadd.f32 v29, v18  }
0x198: {  	v51 =	vld [tilespmem:s19+$0xD020];
	v22 =	vadd.f32 v30, v22;
	v12 =	vadd.f32 v61, v13  }
0x199: {  	v52 =	vld [tilespmem:s19+$0x16030];
	v24 =	vadd.f32 v32, v49;
	v18 =	vadd.f32 v31, v18  }
0x19a: {  	v53 =	vld [tilespmem:s19+$0xE010];
	v19 =	vadd.f32 v40, v22;
	v11 =	vadd.f32 v11, v12  }
0x19b: {  	v54 =	vld [tilespmem:s19+$0x17030];
	v17 =	vadd.f32 v42, v24;
	v18 =	vadd.f32 v33, v18  }
0x19c: {  	v16 =	vadd.f32 v44, v19;
	v10 =	vadd.f32 v10, v11;
	v11 =	vld [tilespmem:s19+$0xE020]  }
0x19d: {  	v55 =	vld [tilespmem:s19+$0xF010];
	v15 =	vadd.f32 v46, v17;
	v18 =	vadd.f32 v41, v18  }
0x19e: {  	v14 =	vadd.f32 v48, v16;
	v9 =	vadd.f32 v9, v10;
	v10 =	vld [tilespmem:s19+$0xF020]  }
0x19f: {  	v56 =	vld [tilespmem:s19+$0x10010];
	v13 =	vadd.f32 v51, v15;
	v57 =	vadd.f32 v43, v18  }
0x1a0: {  	v12 =	vadd.f32 v53, v14;
	v8 =	vadd.f32 v8, v9;
	v9 =	vld [tilespmem:s19+$0x10020]  }
0x1a1: {  	v58 =	vld [tilespmem:s19+$0x11010];
	v11 =	vadd.f32 v11, v13;
	v59 =	vadd.f32 v45, v57  }
0x1a2: {  	v12 =	vadd.f32 v55, v12;
	v7 =	vadd.f32 v7, v8;
	v8 =	vld [tilespmem:s19+$0x11020]  }
0x1a3: {  	v60 =	vld [tilespmem:s19+$0x12010];
	v10 =	vadd.f32 v10, v11;
	v11 =	vadd.f32 v47, v59  }
0x1a4: {  	v12 =	vadd.f32 v56, v12;
	v6 =	vadd.f32 v6, v7;
	v7 =	vld [tilespmem:s19+$0x12020]  }
0x1a5: {  	v61 =	vld [tilespmem:s19+$0x13010];
	v9 =	vadd.f32 v9, v10;
	v10 =	vadd.f32 v50, v11  }
0x1a6: {  	v5 =	vadd.f32 v5, v6;
	v6 =	vld [tilespmem:s19+$0x13020];
	v11 =	vadd.f32 v58, v12  }
0x1a7: {  	v62 =	vld [tilespmem:s19+$0x14010];
	v8 =	vadd.f32 v8, v9;
	v9 =	vadd.f32 v52, v10  }
0x1a8: {  	v5 =	vadd.f32 v3, v5;
	v10 =	vld [tilespmem:s19+$0x14020];
	v11 =	vadd.f32 v60, v11  }
0x1a9: {  	v3 =	vld [tilespmem:s19+$0x15010];
	v7 =	vadd.f32 v7, v8;
	v8 =	vadd.f32 v54, v9  }
0x1aa: {  	v9 =	vadd.f32 v4, v5;
	v4 =	vld [tilespmem:s19+$0x15020];
	v11 =	vadd.f32 v61, v11  }
0x1ab: {  	v5 =	vld [tilespmem:s19+$0x16010];
	v63 =	vadd.f32 v6, v7  }
0x1ac: {  	v6 =	vld [tilespmem:s19+$0x16020];
	[tilespmem:s19+$0x18030] =	vst v8;
	v8 =	vadd.f32 v62, v11  }
0x1ad: {  	s21 =	simm.s32 $0x40;
	s20 =	simm.s32 $0x0;
	v7 =	vld [tilespmem:s19+$0x17010];
	[tilespmem:s19+$0x18000] =	vst v9;
	v9 =	vadd.f32 v10, v63  }
.LBB2_12:
0x1ae: {  	s22 =	sand.u32 $0xFC0, s21;
	v8 =	vadd.f32 v3, v8;
	v10 =	vld [tilespmem:s19+$0x17020]  }
0x1af: {  	v3 =	vld [tilespmem:s22+$0x17000];
	v9 =	vadd.f32 v4, v9  }
0x1b0: {  	v4 =	vld [tilespmem:s22+$0x16000];
	v8 =	vadd.f32 v5, v8  }
0x1b1: {  	v5 =	vld [tilespmem:s22+$0x15000];
	v6 =	vadd.f32 v6, v9  }
0x1b2: {  	v9 =	vld [tilespmem:s22+$0x14000];
	v7 =	vadd.f32 v7, v8  }
0x1b3: {  	v8 =	vld [tilespmem:s22+$0x13000];
	v6 =	vadd.f32 v10, v6  }
0x1b4: {  	v10 =	vld [tilespmem:s22+$0x12000];
	[tilespmem:s19+$0x18010] =	vst v7  }
0x1b5: {  	v7 =	vld [tilespmem:s22+$0x11000];
	[tilespmem:s19+$0x18020] =	vst v6  }
0x1b6: {  	v6 =	vld [tilespmem:s22+$0x10000]  }
0x1b7: {  	v11 =	vld [tilespmem:s22+$0xF000]  }
0x1b8: {  	v12 =	vld [tilespmem:s22+$0xE000]  }
0x1b9: {  	v13 =	vld [tilespmem:s22+$0xD000]  }
0x1ba: {  	v14 =	vld [tilespmem:s22+$0xC000]  }
0x1bb: {  	v15 =	vld [tilespmem:s22+$0xB000]  }
0x1bc: {  	s18 =	sadd.s32 $0x100, s18;
	v16 =	vld [tilespmem:s22+$0xA000]  }
0x1bd: {  	s19 =	sshra.s32 s18, $0x2;
	v17 =	vld [tilespmem:s22+$0x9000]  }
0x1be: {  	s20 =	sadd.s32 $0x4, s20;
	v18 =	vld [tilespmem:s19+$0x8030]  }
0x1bf: {  	p0 =	slt.u32 s20, $0xFC;
	v19 =	vld [tilespmem:s19+$0x9030]  }
0x1c0: {  	v20 =	vld [tilespmem:s19+$0x8000]  }
0x1c1: {  	v21 =	vld [tilespmem:s19+$0xA030]  }
0x1c2: {  	v22 =	vld [tilespmem:s19+$0x8010]  }
0x1c3: {  	v23 =	vld [tilespmem:s19+$0xB030]  }
0x1c4: {  	v24 =	vld [tilespmem:s19+$0x9010];
	v18 =	vadd.f32 v19, v18  }
0x1c5: {  	v17 =	vadd.f32 v17, v20;
	v19 =	vld [tilespmem:s19+$0xC030]  }
0x1c6: {  	v20 =	vld [tilespmem:s19+$0x8020];
	v18 =	vadd.f32 v21, v18  }
0x1c7: {  	v16 =	vadd.f32 v16, v17;
	v17 =	vld [tilespmem:s19+$0xD030]  }
0x1c8: {  	v21 =	vld [tilespmem:s19+$0x9020];
	v18 =	vadd.f32 v23, v18  }
0x1c9: {  	v15 =	vadd.f32 v15, v16;
	v16 =	vadd.f32 v24, v22;
	v22 =	vld [tilespmem:s19+$0xE030]  }
0x1ca: {  	v23 =	vld [tilespmem:s19+$0xA010];
	v18 =	vadd.f32 v19, v18  }
0x1cb: {  	v14 =	vadd.f32 v14, v15;
	v15 =	vld [tilespmem:s19+$0xF030]  }
0x1cc: {  	v19 =	vld [tilespmem:s19+$0xA020];
	v17 =	vadd.f32 v17, v18  }
0x1cd: {  	v13 =	vadd.f32 v13, v14;
	v14 =	vadd.f32 v21, v20;
	v18 =	vld [tilespmem:s19+$0x10030]  }
0x1ce: {  	v20 =	vld [tilespmem:s19+$0xB010];
	v17 =	vadd.f32 v22, v17  }
0x1cf: {  	v12 =	vadd.f32 v12, v13;
	v13 =	vadd.f32 v23, v16;
	v16 =	vld [tilespmem:s19+$0x11030]  }
0x1d0: {  	v21 =	vld [tilespmem:s19+$0xB020];
	v15 =	vadd.f32 v15, v17  }
0x1d1: {  	v11 =	vadd.f32 v11, v12;
	v12 =	vadd.f32 v19, v14;
	v14 =	vld [tilespmem:s19+$0x12030]  }
0x1d2: {  	v17 =	vld [tilespmem:s19+$0xC010];
	v15 =	vadd.f32 v18, v15  }
0x1d3: {  	v6 =	vadd.f32 v6, v11;
	v11 =	vadd.f32 v20, v13;
	v13 =	vld [tilespmem:s19+$0x13030]  }
0x1d4: {  	v18 =	vld [tilespmem:s19+$0xC020];
	v15 =	vadd.f32 v16, v15  }
0x1d5: {  	v6 =	vadd.f32 v7, v6;
	v7 =	vadd.f32 v21, v12;
	v12 =	vld [tilespmem:s19+$0x14030]  }
0x1d6: {  	v16 =	vld [tilespmem:s19+$0xD010];
	v14 =	vadd.f32 v14, v15  }
0x1d7: {  	v6 =	vadd.f32 v10, v6;
	v10 =	vadd.f32 v17, v11;
	v11 =	vld [tilespmem:s19+$0x15030]  }
0x1d8: {  	v15 =	vld [tilespmem:s19+$0xD020];
	v13 =	vadd.f32 v13, v14  }
0x1d9: {  	v6 =	vadd.f32 v8, v6;
	v7 =	vadd.f32 v18, v7;
	v8 =	vld [tilespmem:s19+$0x16030]  }
0x1da: {  	v14 =	vld [tilespmem:s19+$0xE010];
	v12 =	vadd.f32 v12, v13  }
0x1db: {  	v6 =	vadd.f32 v9, v6;
	v9 =	vadd.f32 v16, v10;
	v10 =	vld [tilespmem:s19+$0x17030]  }
0x1dc: {  	v13 =	vld [tilespmem:s19+$0xE020];
	v11 =	vadd.f32 v11, v12  }
0x1dd: {  	v5 =	vadd.f32 v5, v6;
	v6 =	vld [tilespmem:s19+$0xF010];
	v7 =	vadd.f32 v15, v7  }
0x1de: {  	v12 =	vld [tilespmem:s19+$0xF020];
	v8 =	vadd.f32 v8, v11  }
0x1df: {  	v4 =	vadd.f32 v4, v5;
	v5 =	vadd.f32 v14, v9;
	v9 =	vld [tilespmem:s19+$0x10010]  }
0x1e0: {  	v11 =	vld [tilespmem:s19+$0x10020];
	v8 =	vadd.f32 v10, v8  }
0x1e1: {  	v3 =	vadd.f32 v3, v4;
	v4 =	vld [tilespmem:s19+$0x11010];
	v7 =	vadd.f32 v13, v7  }
0x1e2: {  	v5 =	vadd.f32 v6, v5;
	v6 =	vld [tilespmem:s19+$0x11020];
	[tilespmem:s19+$0x18030] =	vst v8  }
0x1e3: {  	[tilespmem:s19+$0x18000] =	vst v3;
	v3 =	vld [tilespmem:s19+$0x12010];
	v7 =	vadd.f32 v12, v7  }
0x1e4: {  	v5 =	vadd.f32 v9, v5;
	v8 =	vld [tilespmem:s19+$0x12020]  }
0x1e5: {  	v9 =	vld [tilespmem:s19+$0x13010];
	v7 =	vadd.f32 v11, v7  }
0x1e6: {  	v4 =	vadd.f32 v4, v5;
	v10 =	vld [tilespmem:s19+$0x13020]  }
0x1e7: {  	v11 =	vld [tilespmem:s19+$0x14010];
	v5 =	vadd.f32 v6, v7  }
0x1e8: {  	v4 =	vadd.f32 v3, v4;
	v12 =	vld [tilespmem:s19+$0x14020]  }
.Ltmp5:
0x1e9: {  	v3 =	vld [tilespmem:s19+$0x15010];
	v6 =	vadd.f32 v8, v5;
	(pc) =	sbr.rel @p0 .LBB2_12-.Ltmp5, $4  }
0x1ea: {  	v7 =	vadd.f32 v9, v4;
	v4 =	vld [tilespmem:s19+$0x15020]  }
0x1eb: {  	v5 =	vld [tilespmem:s19+$0x16010];
	v9 =	vadd.f32 v10, v6  }
0x1ec: {  	v8 =	vadd.f32 v11, v7;
	v6 =	vld [tilespmem:s19+$0x16020]  }
0x1ed: {  	s21 =	sadd.s32 $0x40, s21;
	v7 =	vld [tilespmem:s19+$0x17010];
	v9 =	vadd.f32 v12, v9  }
0x1ee: {  	v3 =	vadd.f32 v3, v8;
	v63 =	vld [tilespmem:s19+$0x17020]  }
0x1ef: {  	v4 =	vadd.f32 v4, v9  }
0x1f0: {  	v3 =	vadd.f32 v5, v3  }
0x1f1: {  	v4 =	vadd.f32 v6, v4  }
0x1f2: {  	v3 =	vadd.f32 v7, v3  }
0x1f3: {  	s17 =	sadd.s32 $0x1, s17;
	v4 =	vadd.f32 v63, v4  }
0x1f4: {  	p0 =	sne.s32 s17, s8;
	[tilespmem:s19+$0x18010] =	vst v3  }
.Ltmp6:
0x1f5: {  	[tilespmem:s19+$0x18020] =	vst v4;
	(pc) =	sbr.rel @p0 .LBB2_1-.Ltmp6, $4  }
0x1f6: {  	[hbm4b:s7+s13] =	stream.strided.scatter [tilespmem:s15], [sflag:$0x3], $0x1000, s14, s13, $0x38;
	[tilespmem:$0x19000] =	vst v63  }
0x1f7: {  	_ =	swait.ge [sflag:s16], $0x1000  }
0x1f8: {  	[sflag:s16] =	ssyncset.done $0x0  }
0x1f9: {  	[sflag:s16] =	ssyncadd.s32 $0xFFFFF000  }
0x1fa: {  	_ =	sfence.sel $0x180000  }
0x1fb: {  	[bflag:$0x0] =	sbarrier.arrive $0xFFFF  }
0x1fc: {  	p0 =	sne.s32 s1, $0x0;
	_ =	strace $0x90000047  }
0x1fd: {  	s0 =	sadd.s32 @!p0 $0x100000, s0;
	[bflag:$0x2] =	sbarrier.arrive $0xFFFF  }
0x1fe: {  	[sflag:s0] =	ssyncadd.tile.s32 @!p0 $0x1;
	_ =	shalt  }
.Lfunc_end2:
_tile_overlayer_lowered:
.L_overlay_start_2:
0x1ff: {  	(tag) =	ssettag $0x2  }
0x200: {  	s0 =	rddreg [dreg:$0x0];
	s2 =	stileid.u32  }
0x201: {  	s1 =	rddreg [dreg:$0x1];
	p0 =	sne.s32 s2, $0x0  }
0x202: {  	s3 =	rddreg [dreg:$0x2];
	[bflag:$0x3] =	sbarrier.arrive $0xFFFF;
	s2 =	simm.s32 @!p0 $0x1C03  }
0x203: {  	[timem:s3], [sflag:s2] =	dma.local @!p0 [hbm:s0], s1  }
0x204: {  	s0 =	simm.s32 @!p0 $0x3  }
0x205: {  	_ =	swait.ge @!p0 [sflag:s0], s1  }
0x206: {  	s1 =	ssub.s32 @!p0 $0x0, s1;
	[sflag:s0] =	ssyncset.done @!p0 $0x0  }
0x207: {  	[sflag:s0] =	ssyncadd.s32 @!p0 s1  }
0x208: {  	[bflag:$0x3] =	sbarrier.arrive $0xFFFF  }
0x209: {  	_ =	shalt  }

</sc_bundles>
